<compile_context>
chip_gen: v7x
topology: tpu7x:2x2x1
jax: 0.10.2.dev20260603
libtpu: 0.0.44.dev20260713+nightly
codegen_flags: <defaults>
</compile_context>

<pallas_src>
import functools

import jax
import jax.numpy as jnp
from jax import lax
from jax.experimental import pallas as pl
from jax.experimental.pallas import tpu as pltpu
from jax.experimental.pallas import tpu_sc as plsc

N_NODES = 10000
N_EDGES = 320000
DIM = 128

NC = 2
NS = 16
E_PER_TILE = N_EDGES // (NC * NS)
CHUNK = 112
N_CHUNKS = E_PER_TILE // CHUNK
E_TAIL = E_PER_TILE - N_CHUNKS * CHUNK
R_MAIN = 624
R_TAIL = N_NODES - NS * R_MAIN


def _sc_accumulate(feature, src, dst, zrows, zcnt, ones_v_h):
    mesh = plsc.VectorSubcoreMesh(core_axis_name="c", subcore_axis_name="s")

    @functools.partial(
        pl.kernel,
        mesh=mesh,
        out_type=[
            jax.ShapeDtypeStruct((NC, N_NODES, DIM), jnp.float32),
            jax.ShapeDtypeStruct((16, N_NODES), jnp.float32),
        ],
        scratch_types=[
            pltpu.VMEM((E_PER_TILE,), jnp.int32),
            pltpu.VMEM((E_PER_TILE,), jnp.int32),
            pltpu.VMEM((CHUNK, DIM), jnp.float32),
            pltpu.VMEM((CHUNK, DIM), jnp.float32),
            pltpu.VMEM((CHUNK,), jnp.float32),
            pltpu.VMEM_SHARED((N_NODES, DIM), jnp.float32),
            pltpu.VMEM_SHARED((N_NODES,), jnp.float32),
            pltpu.SemaphoreType.DMA,
            pltpu.SemaphoreType.DMA,
            pltpu.SemaphoreType.DMA,
            pltpu.SemaphoreType.DMA,
            pltpu.SemaphoreType.DMA,
            pltpu.SemaphoreType.DMA,
        ],
    )
    def k(feat_hbm, src_hbm, dst_hbm, zr_hbm, zc_hbm, ones_hbm,
          psum_hbm, pcnt_hbm,
          src_a, dst_a, msgs0, msgs1, ones_v, acc_s, cnt_s,
          sem0, sem1, sems0, sems1, semc0, semc1):
        c = lax.axis_index("c")
        s = lax.axis_index("s")
        tid = c * NS + s

        r0 = s * R_MAIN
        pltpu.sync_copy(zr_hbm, acc_s.at[pl.ds(r0, R_MAIN)])

        @pl.when(s == 0)
        def _():
            pltpu.sync_copy(zc_hbm, cnt_s)

        @pl.when(s == NS - 1)
        def _():
            pltpu.sync_copy(zr_hbm.at[pl.ds(0, R_TAIL)],
                            acc_s.at[pl.ds(NS * R_MAIN, R_TAIL)])

        pltpu.sync_copy(ones_hbm, ones_v)
        e0 = pl.multiple_of(tid * E_PER_TILE, 8)
        pltpu.sync_copy(src_hbm.at[pl.ds(e0, E_PER_TILE)], src_a)
        pltpu.sync_copy(dst_hbm.at[pl.ds(e0, E_PER_TILE)], dst_a)
        plsc.subcore_barrier()

        def src_at(j):
            return src_a.at[pl.ds(pl.multiple_of(j * CHUNK, 8), CHUNK)]

        def dst_at(j):
            return dst_a.at[pl.ds(pl.multiple_of(j * CHUNK, 8), CHUNK)]

        def gather_wait(j, buf, sem):
            pltpu.make_async_copy(feat_hbm.at[src_at(j)], buf, sem).wait()

        def scatter_start(j, buf, semv, semc):
            pltpu.async_copy(buf, acc_s.at[dst_at(j)], semv, add=True)
            pltpu.async_copy(ones_v, cnt_s.at[dst_at(j)], semc, add=True)

        def scatter_wait(j, buf, semv, semc):
            pltpu.make_async_copy(buf, acc_s.at[dst_at(j)], semv).wait()
            pltpu.make_async_copy(ones_v, cnt_s.at[dst_at(j)], semc).wait()

        pltpu.async_copy(feat_hbm.at[src_at(0)], msgs0, sem0)
        gather_wait(0, msgs0, sem0)
        scatter_start(0, msgs0, sems0, semc0)
        pltpu.async_copy(feat_hbm.at[src_at(1)], msgs1, sem1)

        def body(j2, carry):
            j = j2 * 2 + 1
            gather_wait(j, msgs1, sem1)
            scatter_start(j, msgs1, sems1, semc1)
            scatter_wait(j - 1, msgs0, sems0, semc0)
            pltpu.async_copy(feat_hbm.at[src_at(j + 1)], msgs0, sem0)
            gather_wait(j + 1, msgs0, sem0)
            scatter_start(j + 1, msgs0, sems0, semc0)
            scatter_wait(j, msgs1, sems1, semc1)

            @pl.when(j2 < N_CHUNKS // 2 - 1)
            def _():
                pltpu.async_copy(feat_hbm.at[src_at(j + 2)], msgs1, sem1)

            return carry

        lax.fori_loop(0, N_CHUNKS // 2, body, 0)
        et0 = pl.multiple_of(N_CHUNKS * CHUNK, 8)
        pltpu.async_copy(feat_hbm.at[src_a.at[pl.ds(et0, E_TAIL)]],
                         msgs1.at[pl.ds(0, E_TAIL)], sem1)
        scatter_wait(N_CHUNKS - 1, msgs0, sems0, semc0)
        pltpu.make_async_copy(feat_hbm.at[src_a.at[pl.ds(et0, E_TAIL)]],
                              msgs1.at[pl.ds(0, E_TAIL)], sem1).wait()
        pltpu.sync_copy(msgs1.at[pl.ds(0, E_TAIL)],
                        acc_s.at[dst_a.at[pl.ds(et0, E_TAIL)]], add=True)
        pltpu.sync_copy(ones_v.at[pl.ds(0, E_TAIL)],
                        cnt_s.at[dst_a.at[pl.ds(et0, E_TAIL)]], add=True)

        plsc.subcore_barrier()

        pltpu.sync_copy(acc_s.at[pl.ds(r0, R_MAIN)],
                        psum_hbm.at[c, pl.ds(r0, R_MAIN)])

        @pl.when(s == 0)
        def _():
            pltpu.sync_copy(cnt_s, pcnt_hbm.at[pl.multiple_of(8 * c, 8)])

        @pl.when(s == NS - 1)
        def _():
            pltpu.sync_copy(acc_s.at[pl.ds(NS * R_MAIN, R_TAIL)],
                            psum_hbm.at[c, pl.ds(NS * R_MAIN, R_TAIL)])

    return k(feature, src, dst, zrows, zcnt, ones_v_h)


def _tc_body(p_ref, c_ref, w_ref, b_ref, o_ref):
    p = p_ref[0] + p_ref[1]
    cnt = jnp.maximum(c_ref[0] + c_ref[8], 1.0).reshape(N_NODES, 1)
    h = p / cnt
    o_ref[...] = (
        jnp.dot(h, w_ref[...], preferred_element_type=jnp.float32) + b_ref[...]
    )


def _tc_apply(psum, pcnt, Wt, b2):
    return pl.pallas_call(
        _tc_body,
        out_shape=jax.ShapeDtypeStruct((N_NODES, DIM), jnp.float32),
    )(psum, pcnt, Wt, b2)


def kernel(feature, edge_index, W, b):
    src = edge_index[0].astype(jnp.int32)
    dst = edge_index[1].astype(jnp.int32)
    zrows = jnp.zeros((R_MAIN, DIM), jnp.float32)
    zcnt = jnp.zeros((N_NODES,), jnp.float32)
    ones_v_h = jnp.ones((CHUNK,), jnp.float32)
    psum, pcnt = _sc_accumulate(feature, src, dst, zrows, zcnt, ones_v_h)
    out = _tc_apply(psum, pcnt, W.T, b.reshape(1, DIM))
    return out

# --- scband reference (transcript-rebuilt; emitter-appended) ---
"""Pipeline reference for scband-gcnlayer-3582002725428 (READ-ONLY COPY).

The authoritative reference and input builder live on the scoring server;
editing this copy changes nothing except your own understanding.
"""

import jax, jax.numpy as jnp
import numpy as np

N_NODES = 10000
N_EDGES = 320000
DIM_IN = 128
DIM_OUT = 128

def setup_inputs(seed: int = 0) -> dict:
    key = jax.random.key(seed)
    k1, k2, k3, k4 = jax.random.split(key, 4)
    feature = jax.random.normal(k1, (N_NODES, DIM_IN), dtype=jnp.float32)
    edge_index = jax.random.randint(k2, (2, N_EDGES), 0, N_NODES, dtype=jnp.int64)
    # Linear params (nn.Linear(dim_in, dim_out)): W [dim_out, dim_in], b [dim_out]
    bound = 1.0 / np.sqrt(DIM_IN)
    W = jax.random.uniform(k3, (DIM_OUT, DIM_IN), minval=-bound, maxval=bound, dtype=jnp.float32)
    b = jax.random.uniform(k4, (DIM_OUT,), minval=-bound, maxval=bound, dtype=jnp.float32)
    return {"feature": feature, "edge_index": edge_index, "W": W, "b": b}

def reference(feature, edge_index, W, b):
    src = edge_index[0]
    dst = edge_index[1]
    # message: copy_u('h','m') -> gather source node features per edge
    msgs = jnp.take(feature, src, axis=0)
    # reduce: mean over incoming messages per destination node
    summed = jax.ops.segment_sum(msgs, dst, num_segments=N_NODES)
    counts = jax.ops.segment_sum(jnp.ones((N_EDGES,), dtype=jnp.float32), dst, num_segments=N_NODES)
    denom = jnp.maximum(counts, 1.0)
    h = summed / denom[:, None]
    # nodes with no incoming edges get zero-filled h (DGL default), already 0 here
    # apply_nodes: linear
    out = h @ W.T + b
    return out

if __name__ == "__main__":
    import jax
    _d = setup_inputs()
    print(jax.jit(kernel)(*tuple(_d.values())))

</pallas_src>

<mosaic_0001>
#map = affine_map<(d0, d1) -> (0, 0)>
#map1 = affine_map<(d0, d1) -> (0)>
#map2 = affine_map<(d0, d1) -> (0, 0, 0)>
module attributes {stable_mosaic.version = 14 : i64} {
  func.func @k(%arg0: i32, %arg1: i32, %arg2: memref<10000x128xf32, #tpu.memory_space<hbm>>, %arg3: memref<320000xi32, #tpu.memory_space<hbm>>, %arg4: memref<320000xi32, #tpu.memory_space<hbm>>, %arg5: memref<624x128xf32, #tpu.memory_space<hbm>>, %arg6: memref<10000xf32, #tpu.memory_space<hbm>>, %arg7: memref<112xf32, #tpu.memory_space<hbm>>, %arg8: memref<2x10000x128xf32, #tpu.memory_space<hbm>>, %arg9: memref<16x10000xf32, #tpu.memory_space<hbm>>, %arg10: memref<10000xi32, #tpu.memory_space<vmem>>, %arg11: memref<10000xi32, #tpu.memory_space<vmem>>, %arg12: memref<112x128xf32, #tpu.memory_space<vmem>>, %arg13: memref<112x128xf32, #tpu.memory_space<vmem>>, %arg14: memref<112xf32, #tpu.memory_space<vmem>>, %arg15: memref<10000x128xf32, #tpu.memory_space<vmem_shared>>, %arg16: memref<10000xf32, #tpu.memory_space<vmem_shared>>, %arg17: memref<!tpu.dma_semaphore, #tpu.memory_space<semaphore_mem>>, %arg18: memref<!tpu.dma_semaphore, #tpu.memory_space<semaphore_mem>>, %arg19: memref<!tpu.dma_semaphore, #tpu.memory_space<semaphore_mem>>, %arg20: memref<!tpu.dma_semaphore, #tpu.memory_space<semaphore_mem>>, %arg21: memref<!tpu.dma_semaphore, #tpu.memory_space<semaphore_mem>>, %arg22: memref<!tpu.dma_semaphore, #tpu.memory_space<semaphore_mem>>) attributes {dimension_semantics = [#tpu.dimension_semantics<core_parallel>, #tpu.dimension_semantics<subcore_parallel>], iteration_bounds = array<i64: 2, 16>, scalar_prefetch = 0 : i64, scratch_operands = 13 : i64, tpu.core_type = #tpu.core_type<sc_vector_subcore>, window_params = [{transform_indices = #map}, {transform_indices = #map1}, {transform_indices = #map1}, {transform_indices = #map}, {transform_indices = #map1}, {transform_indices = #map1}, {transform_indices = #map2}, {transform_indices = #map}]} {
    %mul3A = arith.constant 16 : i32
    %mul3A_0 = arith.muli %arg0, %mul3A : i32
    %add3A = arith.addi %mul3A_0, %arg1 : i32
    %mul3A_1 = arith.constant 624 : i32
    %mul3A_2 = arith.muli %arg1, %mul3A_1 : i32
    "tpu.region"() ({
      %run_scoped3A = tpu.sem_alloc : memref<!tpu.dma_semaphore, #tpu.memory_space<semaphore_mem>>
      %dma_start3A_82 = arith.constant 0 : i32
      %dma_start3A_83 = tpu.memref_slice %arg15[%mul3A_2, %dma_start3A_82] : memref<10000x128xf32, #tpu.memory_space<vmem_shared>> -> memref<624x128xf32, #tpu.memory_space<vmem_shared>>
      tpu.enqueue_dma source(%arg5 : memref<624x128xf32, #tpu.memory_space<hbm>>) target(%dma_start3A_83 : memref<624x128xf32, #tpu.memory_space<vmem_shared>>) target_semaphore(%run_scoped3A : memref<!tpu.dma_semaphore, #tpu.memory_space<semaphore_mem>>)
      %dma_wait3A_84 = arith.constant 0 : i32
      %dma_wait3A_85 = tpu.memref_slice %arg15[%mul3A_2, %dma_wait3A_84] : memref<10000x128xf32, #tpu.memory_space<vmem_shared>> -> memref<624x128xf32, #tpu.memory_space<vmem_shared>>
      tpu.wait_dma2 semaphore(%run_scoped3A : memref<!tpu.dma_semaphore, #tpu.memory_space<semaphore_mem>>) src(%arg5 : memref<624x128xf32, #tpu.memory_space<hbm>>) dst(%dma_wait3A_85 : memref<624x128xf32, #tpu.memory_space<vmem_shared>>)
      tpu.yield
    }) : () -> ()
    %eq3A = arith.constant 0 : i32
    %eq3A_3 = arith.cmpi eq, %arg1, %eq3A : i32
    %convert_element_type3A = arith.extui %eq3A_3 : i1 to i32
    %cond3A = arith.constant 0 : i32
    %cond3A_4 = arith.cmpi ne, %convert_element_type3A, %cond3A : i32
    scf.if %cond3A_4 {
      "tpu.region"() ({
        %run_scoped3A = tpu.sem_alloc : memref<!tpu.dma_semaphore, #tpu.memory_space<semaphore_mem>>
        tpu.enqueue_dma source(%arg6 : memref<10000xf32, #tpu.memory_space<hbm>>) target(%arg16 : memref<10000xf32, #tpu.memory_space<vmem_shared>>) target_semaphore(%run_scoped3A : memref<!tpu.dma_semaphore, #tpu.memory_space<semaphore_mem>>)
        tpu.wait_dma2 semaphore(%run_scoped3A : memref<!tpu.dma_semaphore, #tpu.memory_space<semaphore_mem>>) src(%arg6 : memref<10000xf32, #tpu.memory_space<hbm>>) dst(%arg16 : memref<10000xf32, #tpu.memory_space<vmem_shared>>)
        tpu.yield
      }) : () -> ()
    } else {
    }
    %eq3A_5 = arith.constant 15 : i32
    %eq3A_6 = arith.cmpi eq, %arg1, %eq3A_5 : i32
    %convert_element_type3A_7 = arith.extui %eq3A_6 : i1 to i32
    %cond3A_8 = arith.constant 0 : i32
    %cond3A_9 = arith.cmpi ne, %convert_element_type3A_7, %cond3A_8 : i32
    scf.if %cond3A_9 {
      "tpu.region"() ({
        %run_scoped3A = tpu.sem_alloc : memref<!tpu.dma_semaphore, #tpu.memory_space<semaphore_mem>>
        %dma_start3A_82 = arith.constant 9984 : i32
        %dma_start3A_83 = arith.constant 0 : i32
        %dma_start3A_84 = tpu.memref_slice %arg15[%dma_start3A_82, %dma_start3A_83] : memref<10000x128xf32, #tpu.memory_space<vmem_shared>> -> memref<16x128xf32, #tpu.memory_space<vmem_shared>>
        %dma_start3A_85 = arith.constant 0 : i32
        %dma_start3A_86 = arith.constant 0 : i32
        %dma_start3A_87 = tpu.memref_slice %arg5[%dma_start3A_85, %dma_start3A_86] : memref<624x128xf32, #tpu.memory_space<hbm>> -> memref<16x128xf32, #tpu.memory_space<hbm>>
        tpu.enqueue_dma source(%dma_start3A_87 : memref<16x128xf32, #tpu.memory_space<hbm>>) target(%dma_start3A_84 : memref<16x128xf32, #tpu.memory_space<vmem_shared>>) target_semaphore(%run_scoped3A : memref<!tpu.dma_semaphore, #tpu.memory_space<semaphore_mem>>)
        %dma_wait3A_88 = arith.constant 9984 : i32
        %dma_wait3A_89 = arith.constant 0 : i32
        %dma_wait3A_90 = tpu.memref_slice %arg15[%dma_wait3A_88, %dma_wait3A_89] : memref<10000x128xf32, #tpu.memory_space<vmem_shared>> -> memref<16x128xf32, #tpu.memory_space<vmem_shared>>
        %dma_wait3A_91 = arith.constant 0 : i32
        %dma_wait3A_92 = arith.constant 0 : i32
        %dma_wait3A_93 = tpu.memref_slice %arg5[%dma_wait3A_91, %dma_wait3A_92] : memref<624x128xf32, #tpu.memory_space<hbm>> -> memref<16x128xf32, #tpu.memory_space<hbm>>
        tpu.wait_dma2 semaphore(%run_scoped3A : memref<!tpu.dma_semaphore, #tpu.memory_space<semaphore_mem>>) src(%dma_wait3A_93 : memref<16x128xf32, #tpu.memory_space<hbm>>) dst(%dma_wait3A_90 : memref<16x128xf32, #tpu.memory_space<vmem_shared>>)
        tpu.yield
      }) : () -> ()
    } else {
    }
    "tpu.region"() ({
      %run_scoped3A = tpu.sem_alloc : memref<!tpu.dma_semaphore, #tpu.memory_space<semaphore_mem>>
      tpu.enqueue_dma source(%arg7 : memref<112xf32, #tpu.memory_space<hbm>>) target(%arg14 : memref<112xf32, #tpu.memory_space<vmem>>) target_semaphore(%run_scoped3A : memref<!tpu.dma_semaphore, #tpu.memory_space<semaphore_mem>>)
      tpu.wait_dma2 semaphore(%run_scoped3A : memref<!tpu.dma_semaphore, #tpu.memory_space<semaphore_mem>>) src(%arg7 : memref<112xf32, #tpu.memory_space<hbm>>) dst(%arg14 : memref<112xf32, #tpu.memory_space<vmem>>)
      tpu.yield
    }) : () -> ()
    %mul3A_10 = arith.constant 10000 : i32
    %mul3A_11 = arith.muli %add3A, %mul3A_10 : i32
    %multiple_of3A = tpu.assume_multiple %mul3A_11, 8 : i32
    "tpu.region"() ({
      %run_scoped3A = tpu.sem_alloc : memref<!tpu.dma_semaphore, #tpu.memory_space<semaphore_mem>>
      %dma_start3A_82 = tpu.memref_slice %arg3[%multiple_of3A] : memref<320000xi32, #tpu.memory_space<hbm>> -> memref<10000xi32, #tpu.memory_space<hbm>>
      %dma_start3A_83 = tpu.memref_slice %arg3[%multiple_of3A] : memref<320000xi32, #tpu.memory_space<hbm>> -> memref<10000xi32, #tpu.memory_space<hbm>>
      tpu.enqueue_dma source(%dma_start3A_83 : memref<10000xi32, #tpu.memory_space<hbm>>) target(%arg10 : memref<10000xi32, #tpu.memory_space<vmem>>) target_semaphore(%run_scoped3A : memref<!tpu.dma_semaphore, #tpu.memory_space<semaphore_mem>>)
      %dma_wait3A_84 = tpu.memref_slice %arg3[%multiple_of3A] : memref<320000xi32, #tpu.memory_space<hbm>> -> memref<10000xi32, #tpu.memory_space<hbm>>
      %dma_wait3A_85 = tpu.memref_slice %arg3[%multiple_of3A] : memref<320000xi32, #tpu.memory_space<hbm>> -> memref<10000xi32, #tpu.memory_space<hbm>>
      tpu.wait_dma2 semaphore(%run_scoped3A : memref<!tpu.dma_semaphore, #tpu.memory_space<semaphore_mem>>) src(%dma_wait3A_85 : memref<10000xi32, #tpu.memory_space<hbm>>) dst(%arg10 : memref<10000xi32, #tpu.memory_space<vmem>>)
      tpu.yield
    }) : () -> ()
    "tpu.region"() ({
      %run_scoped3A = tpu.sem_alloc : memref<!tpu.dma_semaphore, #tpu.memory_space<semaphore_mem>>
      %dma_start3A_82 = tpu.memref_slice %arg4[%multiple_of3A] : memref<320000xi32, #tpu.memory_space<hbm>> -> memref<10000xi32, #tpu.memory_space<hbm>>
      %dma_start3A_83 = tpu.memref_slice %arg4[%multiple_of3A] : memref<320000xi32, #tpu.memory_space<hbm>> -> memref<10000xi32, #tpu.memory_space<hbm>>
      tpu.enqueue_dma source(%dma_start3A_83 : memref<10000xi32, #tpu.memory_space<hbm>>) target(%arg11 : memref<10000xi32, #tpu.memory_space<vmem>>) target_semaphore(%run_scoped3A : memref<!tpu.dma_semaphore, #tpu.memory_space<semaphore_mem>>)
      %dma_wait3A_84 = tpu.memref_slice %arg4[%multiple_of3A] : memref<320000xi32, #tpu.memory_space<hbm>> -> memref<10000xi32, #tpu.memory_space<hbm>>
      %dma_wait3A_85 = tpu.memref_slice %arg4[%multiple_of3A] : memref<320000xi32, #tpu.memory_space<hbm>> -> memref<10000xi32, #tpu.memory_space<hbm>>
      tpu.wait_dma2 semaphore(%run_scoped3A : memref<!tpu.dma_semaphore, #tpu.memory_space<semaphore_mem>>) src(%dma_wait3A_85 : memref<10000xi32, #tpu.memory_space<hbm>>) dst(%arg11 : memref<10000xi32, #tpu.memory_space<vmem>>)
      tpu.yield
    }) : () -> ()
    %barrier3A = arith.constant 0 : index
    tpu.barrier barrier_id(%barrier3A)
    %multiple_of3A_12 = arith.constant 0 : i32
    %multiple_of3A_13 = tpu.assume_multiple %multiple_of3A_12, 8 : i32
    %dma_start3A = tpu.memref_slice %arg10[%multiple_of3A_13] : memref<10000xi32, #tpu.memory_space<vmem>> -> memref<112xi32, #tpu.memory_space<vmem>>
    %dma_start3A_14 = arith.constant 0 : i32
    %dma_start3A_15 = arith.constant 0 : i32
    %dma_start3A_16 = tpu.memref_slice %arg2[%dma_start3A_14, %dma_start3A_15] : memref<10000x128xf32, #tpu.memory_space<hbm>> -> memref<10000x128xf32, #tpu.memory_space<hbm>>
    tpu.enqueue_indirect_dma source(%dma_start3A_16 : memref<10000x128xf32, #tpu.memory_space<hbm>>) target(%arg12 : memref<112x128xf32, #tpu.memory_space<vmem>>) offsets(%dma_start3A : memref<112xi32, #tpu.memory_space<vmem>>) semaphore(%arg17 : memref<!tpu.dma_semaphore, #tpu.memory_space<semaphore_mem>>)
    %multiple_of3A_17 = arith.constant 0 : i32
    %multiple_of3A_18 = tpu.assume_multiple %multiple_of3A_17, 8 : i32
    %dma_wait3A = tpu.memref_slice %arg10[%multiple_of3A_18] : memref<10000xi32, #tpu.memory_space<vmem>> -> memref<112xi32, #tpu.memory_space<vmem>>
    %dma_wait3A_19 = arith.constant 0 : i32
    %dma_wait3A_20 = arith.constant 0 : i32
    %dma_wait3A_21 = tpu.memref_slice %arg2[%dma_wait3A_19, %dma_wait3A_20] : memref<10000x128xf32, #tpu.memory_space<hbm>> -> memref<10000x128xf32, #tpu.memory_space<hbm>>
    tpu.wait_indirect_dma semaphore(%arg17 : memref<!tpu.dma_semaphore, #tpu.memory_space<semaphore_mem>>) src(%dma_wait3A_21 : memref<10000x128xf32, #tpu.memory_space<hbm>>) dst(%arg12 : memref<112x128xf32, #tpu.memory_space<vmem>>)
    %multiple_of3A_22 = arith.constant 0 : i32
    %multiple_of3A_23 = tpu.assume_multiple %multiple_of3A_22, 8 : i32
    %dma_start3A_24 = tpu.memref_slice %arg11[%multiple_of3A_23] : memref<10000xi32, #tpu.memory_space<vmem>> -> memref<112xi32, #tpu.memory_space<vmem>>
    %dma_start3A_25 = arith.constant 0 : i32
    %dma_start3A_26 = arith.constant 0 : i32
    %dma_start3A_27 = tpu.memref_slice %arg15[%dma_start3A_25, %dma_start3A_26] : memref<10000x128xf32, #tpu.memory_space<vmem_shared>> -> memref<10000x128xf32, #tpu.memory_space<vmem_shared>>
    tpu.enqueue_indirect_dma source(%arg12 : memref<112x128xf32, #tpu.memory_space<vmem>>) target(%dma_start3A_27 : memref<10000x128xf32, #tpu.memory_space<vmem_shared>>) offsets(%dma_start3A_24 : memref<112xi32, #tpu.memory_space<vmem>>) semaphore(%arg19 : memref<!tpu.dma_semaphore, #tpu.memory_space<semaphore_mem>>) {add = true}
    %multiple_of3A_28 = arith.constant 0 : i32
    %multiple_of3A_29 = tpu.assume_multiple %multiple_of3A_28, 8 : i32
    %dma_start3A_30 = tpu.memref_slice %arg11[%multiple_of3A_29] : memref<10000xi32, #tpu.memory_space<vmem>> -> memref<112xi32, #tpu.memory_space<vmem>>
    %dma_start3A_31 = arith.constant 0 : i32
    %dma_start3A_32 = tpu.memref_slice %arg16[%dma_start3A_31] : memref<10000xf32, #tpu.memory_space<vmem_shared>> -> memref<10000xf32, #tpu.memory_space<vmem_shared>>
    tpu.enqueue_indirect_dma source(%arg14 : memref<112xf32, #tpu.memory_space<vmem>>) target(%dma_start3A_32 : memref<10000xf32, #tpu.memory_space<vmem_shared>>) offsets(%dma_start3A_30 : memref<112xi32, #tpu.memory_space<vmem>>) semaphore(%arg21 : memref<!tpu.dma_semaphore, #tpu.memory_space<semaphore_mem>>) {add = true}
    %multiple_of3A_33 = arith.constant 112 : i32
    %multiple_of3A_34 = tpu.assume_multiple %multiple_of3A_33, 8 : i32
    %dma_start3A_35 = tpu.memref_slice %arg10[%multiple_of3A_34] : memref<10000xi32, #tpu.memory_space<vmem>> -> memref<112xi32, #tpu.memory_space<vmem>>
    %dma_start3A_36 = arith.constant 0 : i32
    %dma_start3A_37 = arith.constant 0 : i32
    %dma_start3A_38 = tpu.memref_slice %arg2[%dma_start3A_36, %dma_start3A_37] : memref<10000x128xf32, #tpu.memory_space<hbm>> -> memref<10000x128xf32, #tpu.memory_space<hbm>>
    tpu.enqueue_indirect_dma source(%dma_start3A_38 : memref<10000x128xf32, #tpu.memory_space<hbm>>) target(%arg13 : memref<112x128xf32, #tpu.memory_space<vmem>>) offsets(%dma_start3A_35 : memref<112xi32, #tpu.memory_space<vmem>>) semaphore(%arg18 : memref<!tpu.dma_semaphore, #tpu.memory_space<semaphore_mem>>)
    %scan3A = arith.constant 0 : i32
    %scan3A_39 = arith.constant 0 : i32
    %scan3A_40 = arith.constant 44 : i32
    %scan3A_41 = arith.addi %scan3A_39, %scan3A_40 : i32
    %scan3A_42 = arith.constant 1 : i32
    scf.for %scan3A_82 = %scan3A_39 to %scan3A_41 step %scan3A_42  : i32 {
      %mul3A_83 = arith.constant 2 : i32
      %mul3A_84 = arith.muli %scan3A_82, %mul3A_83 : i32
      %add3A_85 = arith.constant 1 : i32
      %add3A_86 = arith.addi %mul3A_84, %add3A_85 : i32
      %mul3A_87 = arith.constant 112 : i32
      %mul3A_88 = arith.muli %add3A_86, %mul3A_87 : i32
      %multiple_of3A_89 = tpu.assume_multiple %mul3A_88, 8 : i32
      %dma_wait3A_90 = tpu.memref_slice %arg10[%multiple_of3A_89] : memref<10000xi32, #tpu.memory_space<vmem>> -> memref<112xi32, #tpu.memory_space<vmem>>
      %dma_wait3A_91 = arith.constant 0 : i32
      %dma_wait3A_92 = arith.constant 0 : i32
      %dma_wait3A_93 = tpu.memref_slice %arg2[%dma_wait3A_91, %dma_wait3A_92] : memref<10000x128xf32, #tpu.memory_space<hbm>> -> memref<10000x128xf32, #tpu.memory_space<hbm>>
      tpu.wait_indirect_dma semaphore(%arg18 : memref<!tpu.dma_semaphore, #tpu.memory_space<semaphore_mem>>) src(%dma_wait3A_93 : memref<10000x128xf32, #tpu.memory_space<hbm>>) dst(%arg13 : memref<112x128xf32, #tpu.memory_space<vmem>>)
      %mul3A_94 = arith.constant 112 : i32
      %mul3A_95 = arith.muli %add3A_86, %mul3A_94 : i32
      %multiple_of3A_96 = tpu.assume_multiple %mul3A_95, 8 : i32
      %dma_start3A_97 = tpu.memref_slice %arg11[%multiple_of3A_96] : memref<10000xi32, #tpu.memory_space<vmem>> -> memref<112xi32, #tpu.memory_space<vmem>>
      %dma_start3A_98 = arith.constant 0 : i32
      %dma_start3A_99 = arith.constant 0 : i32
      %dma_start3A_100 = tpu.memref_slice %arg15[%dma_start3A_98, %dma_start3A_99] : memref<10000x128xf32, #tpu.memory_space<vmem_shared>> -> memref<10000x128xf32, #tpu.memory_space<vmem_shared>>
      tpu.enqueue_indirect_dma source(%arg13 : memref<112x128xf32, #tpu.memory_space<vmem>>) target(%dma_start3A_100 : memref<10000x128xf32, #tpu.memory_space<vmem_shared>>) offsets(%dma_start3A_97 : memref<112xi32, #tpu.memory_space<vmem>>) semaphore(%arg20 : memref<!tpu.dma_semaphore, #tpu.memory_space<semaphore_mem>>) {add = true}
      %mul3A_101 = arith.constant 112 : i32
      %mul3A_102 = arith.muli %add3A_86, %mul3A_101 : i32
      %multiple_of3A_103 = tpu.assume_multiple %mul3A_102, 8 : i32
      %dma_start3A_104 = tpu.memref_slice %arg11[%multiple_of3A_103] : memref<10000xi32, #tpu.memory_space<vmem>> -> memref<112xi32, #tpu.memory_space<vmem>>
      %dma_start3A_105 = arith.constant 0 : i32
      %dma_start3A_106 = tpu.memref_slice %arg16[%dma_start3A_105] : memref<10000xf32, #tpu.memory_space<vmem_shared>> -> memref<10000xf32, #tpu.memory_space<vmem_shared>>
      tpu.enqueue_indirect_dma source(%arg14 : memref<112xf32, #tpu.memory_space<vmem>>) target(%dma_start3A_106 : memref<10000xf32, #tpu.memory_space<vmem_shared>>) offsets(%dma_start3A_104 : memref<112xi32, #tpu.memory_space<vmem>>) semaphore(%arg22 : memref<!tpu.dma_semaphore, #tpu.memory_space<semaphore_mem>>) {add = true}
      %sub3A = arith.constant 1 : i32
      %sub3A_107 = arith.subi %add3A_86, %sub3A : i32
      %mul3A_108 = arith.constant 112 : i32
      %mul3A_109 = arith.muli %sub3A_107, %mul3A_108 : i32
      %multiple_of3A_110 = tpu.assume_multiple %mul3A_109, 8 : i32
      %dma_wait3A_111 = tpu.memref_slice %arg11[%multiple_of3A_110] : memref<10000xi32, #tpu.memory_space<vmem>> -> memref<112xi32, #tpu.memory_space<vmem>>
      %dma_wait3A_112 = arith.constant 0 : i32
      %dma_wait3A_113 = arith.constant 0 : i32
      %dma_wait3A_114 = tpu.memref_slice %arg15[%dma_wait3A_112, %dma_wait3A_113] : memref<10000x128xf32, #tpu.memory_space<vmem_shared>> -> memref<10000x128xf32, #tpu.memory_space<vmem_shared>>
      tpu.wait_indirect_dma semaphore(%arg19 : memref<!tpu.dma_semaphore, #tpu.memory_space<semaphore_mem>>) src(%arg12 : memref<112x128xf32, #tpu.memory_space<vmem>>) dst(%dma_wait3A_114 : memref<10000x128xf32, #tpu.memory_space<vmem_shared>>)
      %mul3A_115 = arith.constant 112 : i32
      %mul3A_116 = arith.muli %sub3A_107, %mul3A_115 : i32
      %multiple_of3A_117 = tpu.assume_multiple %mul3A_116, 8 : i32
      %dma_wait3A_118 = tpu.memref_slice %arg11[%multiple_of3A_117] : memref<10000xi32, #tpu.memory_space<vmem>> -> memref<112xi32, #tpu.memory_space<vmem>>
      %dma_wait3A_119 = arith.constant 0 : i32
      %dma_wait3A_120 = tpu.memref_slice %arg16[%dma_wait3A_119] : memref<10000xf32, #tpu.memory_space<vmem_shared>> -> memref<10000xf32, #tpu.memory_space<vmem_shared>>
      tpu.wait_indirect_dma semaphore(%arg21 : memref<!tpu.dma_semaphore, #tpu.memory_space<semaphore_mem>>) src(%arg14 : memref<112xf32, #tpu.memory_space<vmem>>) dst(%dma_wait3A_120 : memref<10000xf32, #tpu.memory_space<vmem_shared>>)
      %add3A_121 = arith.constant 1 : i32
      %add3A_122 = arith.addi %add3A_86, %add3A_121 : i32
      %mul3A_123 = arith.constant 112 : i32
      %mul3A_124 = arith.muli %add3A_122, %mul3A_123 : i32
      %multiple_of3A_125 = tpu.assume_multiple %mul3A_124, 8 : i32
      %dma_start3A_126 = tpu.memref_slice %arg10[%multiple_of3A_125] : memref<10000xi32, #tpu.memory_space<vmem>> -> memref<112xi32, #tpu.memory_space<vmem>>
      %dma_start3A_127 = arith.constant 0 : i32
      %dma_start3A_128 = arith.constant 0 : i32
      %dma_start3A_129 = tpu.memref_slice %arg2[%dma_start3A_127, %dma_start3A_128] : memref<10000x128xf32, #tpu.memory_space<hbm>> -> memref<10000x128xf32, #tpu.memory_space<hbm>>
      tpu.enqueue_indirect_dma source(%dma_start3A_129 : memref<10000x128xf32, #tpu.memory_space<hbm>>) target(%arg12 : memref<112x128xf32, #tpu.memory_space<vmem>>) offsets(%dma_start3A_126 : memref<112xi32, #tpu.memory_space<vmem>>) semaphore(%arg17 : memref<!tpu.dma_semaphore, #tpu.memory_space<semaphore_mem>>)
      %add3A_130 = arith.constant 1 : i32
      %add3A_131 = arith.addi %add3A_86, %add3A_130 : i32
      %mul3A_132 = arith.constant 112 : i32
      %mul3A_133 = arith.muli %add3A_131, %mul3A_132 : i32
      %multiple_of3A_134 = tpu.assume_multiple %mul3A_133, 8 : i32
      %dma_wait3A_135 = tpu.memref_slice %arg10[%multiple_of3A_134] : memref<10000xi32, #tpu.memory_space<vmem>> -> memref<112xi32, #tpu.memory_space<vmem>>
      %dma_wait3A_136 = arith.constant 0 : i32
      %dma_wait3A_137 = arith.constant 0 : i32
      %dma_wait3A_138 = tpu.memref_slice %arg2[%dma_wait3A_136, %dma_wait3A_137] : memref<10000x128xf32, #tpu.memory_space<hbm>> -> memref<10000x128xf32, #tpu.memory_space<hbm>>
      tpu.wait_indirect_dma semaphore(%arg17 : memref<!tpu.dma_semaphore, #tpu.memory_space<semaphore_mem>>) src(%dma_wait3A_138 : memref<10000x128xf32, #tpu.memory_space<hbm>>) dst(%arg12 : memref<112x128xf32, #tpu.memory_space<vmem>>)
      %add3A_139 = arith.constant 1 : i32
      %add3A_140 = arith.addi %add3A_86, %add3A_139 : i32
      %mul3A_141 = arith.constant 112 : i32
      %mul3A_142 = arith.muli %add3A_140, %mul3A_141 : i32
      %multiple_of3A_143 = tpu.assume_multiple %mul3A_142, 8 : i32
      %dma_start3A_144 = tpu.memref_slice %arg11[%multiple_of3A_143] : memref<10000xi32, #tpu.memory_space<vmem>> -> memref<112xi32, #tpu.memory_space<vmem>>
      %dma_start3A_145 = arith.constant 0 : i32
      %dma_start3A_146 = arith.constant 0 : i32
      %dma_start3A_147 = tpu.memref_slice %arg15[%dma_start3A_145, %dma_start3A_146] : memref<10000x128xf32, #tpu.memory_space<vmem_shared>> -> memref<10000x128xf32, #tpu.memory_space<vmem_shared>>
      tpu.enqueue_indirect_dma source(%arg12 : memref<112x128xf32, #tpu.memory_space<vmem>>) target(%dma_start3A_147 : memref<10000x128xf32, #tpu.memory_space<vmem_shared>>) offsets(%dma_start3A_144 : memref<112xi32, #tpu.memory_space<vmem>>) semaphore(%arg19 : memref<!tpu.dma_semaphore, #tpu.memory_space<semaphore_mem>>) {add = true}
      %mul3A_148 = arith.constant 112 : i32
      %mul3A_149 = arith.muli %add3A_140, %mul3A_148 : i32
      %multiple_of3A_150 = tpu.assume_multiple %mul3A_149, 8 : i32
      %dma_start3A_151 = tpu.memref_slice %arg11[%multiple_of3A_150] : memref<10000xi32, #tpu.memory_space<vmem>> -> memref<112xi32, #tpu.memory_space<vmem>>
      %dma_start3A_152 = arith.constant 0 : i32
      %dma_start3A_153 = tpu.memref_slice %arg16[%dma_start3A_152] : memref<10000xf32, #tpu.memory_space<vmem_shared>> -> memref<10000xf32, #tpu.memory_space<vmem_shared>>
      tpu.enqueue_indirect_dma source(%arg14 : memref<112xf32, #tpu.memory_space<vmem>>) target(%dma_start3A_153 : memref<10000xf32, #tpu.memory_space<vmem_shared>>) offsets(%dma_start3A_151 : memref<112xi32, #tpu.memory_space<vmem>>) semaphore(%arg21 : memref<!tpu.dma_semaphore, #tpu.memory_space<semaphore_mem>>) {add = true}
      %mul3A_154 = arith.constant 112 : i32
      %mul3A_155 = arith.muli %add3A_86, %mul3A_154 : i32
      %multiple_of3A_156 = tpu.assume_multiple %mul3A_155, 8 : i32
      %dma_wait3A_157 = tpu.memref_slice %arg11[%multiple_of3A_156] : memref<10000xi32, #tpu.memory_space<vmem>> -> memref<112xi32, #tpu.memory_space<vmem>>
      %dma_wait3A_158 = arith.constant 0 : i32
      %dma_wait3A_159 = arith.constant 0 : i32
      %dma_wait3A_160 = tpu.memref_slice %arg15[%dma_wait3A_158, %dma_wait3A_159] : memref<10000x128xf32, #tpu.memory_space<vmem_shared>> -> memref<10000x128xf32, #tpu.memory_space<vmem_shared>>
      tpu.wait_indirect_dma semaphore(%arg20 : memref<!tpu.dma_semaphore, #tpu.memory_space<semaphore_mem>>) src(%arg13 : memref<112x128xf32, #tpu.memory_space<vmem>>) dst(%dma_wait3A_160 : memref<10000x128xf32, #tpu.memory_space<vmem_shared>>)
      %mul3A_161 = arith.constant 112 : i32
      %mul3A_162 = arith.muli %add3A_86, %mul3A_161 : i32
      %multiple_of3A_163 = tpu.assume_multiple %mul3A_162, 8 : i32
      %dma_wait3A_164 = tpu.memref_slice %arg11[%multiple_of3A_163] : memref<10000xi32, #tpu.memory_space<vmem>> -> memref<112xi32, #tpu.memory_space<vmem>>
      %dma_wait3A_165 = arith.constant 0 : i32
      %dma_wait3A_166 = tpu.memref_slice %arg16[%dma_wait3A_165] : memref<10000xf32, #tpu.memory_space<vmem_shared>> -> memref<10000xf32, #tpu.memory_space<vmem_shared>>
      tpu.wait_indirect_dma semaphore(%arg22 : memref<!tpu.dma_semaphore, #tpu.memory_space<semaphore_mem>>) src(%arg14 : memref<112xf32, #tpu.memory_space<vmem>>) dst(%dma_wait3A_166 : memref<10000xf32, #tpu.memory_space<vmem_shared>>)
      %lt3A = arith.constant 43 : i32
      %lt3A_167 = arith.cmpi slt, %scan3A_82, %lt3A : i32
      %convert_element_type3A_168 = arith.extui %lt3A_167 : i1 to i32
      %cond3A_169 = arith.constant 0 : i32
      %cond3A_170 = arith.cmpi ne, %convert_element_type3A_168, %cond3A_169 : i32
      scf.if %cond3A_170 {
        %add3A_171 = arith.constant 2 : i32
        %add3A_172 = arith.addi %add3A_86, %add3A_171 : i32
        %mul3A_173 = arith.constant 112 : i32
        %mul3A_174 = arith.muli %add3A_172, %mul3A_173 : i32
        %multiple_of3A_175 = tpu.assume_multiple %mul3A_174, 8 : i32
        %dma_start3A_176 = tpu.memref_slice %arg10[%multiple_of3A_175] : memref<10000xi32, #tpu.memory_space<vmem>> -> memref<112xi32, #tpu.memory_space<vmem>>
        %dma_start3A_177 = arith.constant 0 : i32
        %dma_start3A_178 = arith.constant 0 : i32
        %dma_start3A_179 = tpu.memref_slice %arg2[%dma_start3A_177, %dma_start3A_178] : memref<10000x128xf32, #tpu.memory_space<hbm>> -> memref<10000x128xf32, #tpu.memory_space<hbm>>
        tpu.enqueue_indirect_dma source(%dma_start3A_179 : memref<10000x128xf32, #tpu.memory_space<hbm>>) target(%arg13 : memref<112x128xf32, #tpu.memory_space<vmem>>) offsets(%dma_start3A_176 : memref<112xi32, #tpu.memory_space<vmem>>) semaphore(%arg18 : memref<!tpu.dma_semaphore, #tpu.memory_space<semaphore_mem>>)
      } else {
      }
    }
    %scan3A_43 = arith.constant 44 : i32
    %multiple_of3A_44 = arith.constant 9968 : i32
    %multiple_of3A_45 = tpu.assume_multiple %multiple_of3A_44, 8 : i32
    %dma_start3A_46 = arith.constant 0 : i32
    %dma_start3A_47 = arith.constant 0 : i32
    %dma_start3A_48 = tpu.memref_slice %arg13[%dma_start3A_46, %dma_start3A_47] : memref<112x128xf32, #tpu.memory_space<vmem>> -> memref<32x128xf32, #tpu.memory_space<vmem>>
    %dma_start3A_49 = tpu.memref_slice %arg10[%multiple_of3A_45] : memref<10000xi32, #tpu.memory_space<vmem>> -> memref<32xi32, #tpu.memory_space<vmem>>
    %dma_start3A_50 = arith.constant 0 : i32
    %dma_start3A_51 = arith.constant 0 : i32
    %dma_start3A_52 = tpu.memref_slice %arg2[%dma_start3A_50, %dma_start3A_51] : memref<10000x128xf32, #tpu.memory_space<hbm>> -> memref<10000x128xf32, #tpu.memory_space<hbm>>
    tpu.enqueue_indirect_dma source(%dma_start3A_52 : memref<10000x128xf32, #tpu.memory_space<hbm>>) target(%dma_start3A_48 : memref<32x128xf32, #tpu.memory_space<vmem>>) offsets(%dma_start3A_49 : memref<32xi32, #tpu.memory_space<vmem>>) semaphore(%arg18 : memref<!tpu.dma_semaphore, #tpu.memory_space<semaphore_mem>>)
    %multiple_of3A_53 = arith.constant 9856 : i32
    %multiple_of3A_54 = tpu.assume_multiple %multiple_of3A_53, 8 : i32
    %dma_wait3A_55 = tpu.memref_slice %arg11[%multiple_of3A_54] : memref<10000xi32, #tpu.memory_space<vmem>> -> memref<112xi32, #tpu.memory_space<vmem>>
    %dma_wait3A_56 = arith.constant 0 : i32
    %dma_wait3A_57 = arith.constant 0 : i32
    %dma_wait3A_58 = tpu.memref_slice %arg15[%dma_wait3A_56, %dma_wait3A_57] : memref<10000x128xf32, #tpu.memory_space<vmem_shared>> -> memref<10000x128xf32, #tpu.memory_space<vmem_shared>>
    tpu.wait_indirect_dma semaphore(%arg19 : memref<!tpu.dma_semaphore, #tpu.memory_space<semaphore_mem>>) src(%arg12 : memref<112x128xf32, #tpu.memory_space<vmem>>) dst(%dma_wait3A_58 : memref<10000x128xf32, #tpu.memory_space<vmem_shared>>)
    %multiple_of3A_59 = arith.constant 9856 : i32
    %multiple_of3A_60 = tpu.assume_multiple %multiple_of3A_59, 8 : i32
    %dma_wait3A_61 = tpu.memref_slice %arg11[%multiple_of3A_60] : memref<10000xi32, #tpu.memory_space<vmem>> -> memref<112xi32, #tpu.memory_space<vmem>>
    %dma_wait3A_62 = arith.constant 0 : i32
    %dma_wait3A_63 = tpu.memref_slice %arg16[%dma_wait3A_62] : memref<10000xf32, #tpu.memory_space<vmem_shared>> -> memref<10000xf32, #tpu.memory_space<vmem_shared>>
    tpu.wait_indirect_dma semaphore(%arg21 : memref<!tpu.dma_semaphore, #tpu.memory_space<semaphore_mem>>) src(%arg14 : memref<112xf32, #tpu.memory_space<vmem>>) dst(%dma_wait3A_63 : memref<10000xf32, #tpu.memory_space<vmem_shared>>)
    %dma_wait3A_64 = arith.constant 0 : i32
    %dma_wait3A_65 = arith.constant 0 : i32
    %dma_wait3A_66 = tpu.memref_slice %arg13[%dma_wait3A_64, %dma_wait3A_65] : memref<112x128xf32, #tpu.memory_space<vmem>> -> memref<32x128xf32, #tpu.memory_space<vmem>>
    %dma_wait3A_67 = tpu.memref_slice %arg10[%multiple_of3A_45] : memref<10000xi32, #tpu.memory_space<vmem>> -> memref<32xi32, #tpu.memory_space<vmem>>
    %dma_wait3A_68 = arith.constant 0 : i32
    %dma_wait3A_69 = arith.constant 0 : i32
    %dma_wait3A_70 = tpu.memref_slice %arg2[%dma_wait3A_68, %dma_wait3A_69] : memref<10000x128xf32, #tpu.memory_space<hbm>> -> memref<10000x128xf32, #tpu.memory_space<hbm>>
    tpu.wait_indirect_dma semaphore(%arg18 : memref<!tpu.dma_semaphore, #tpu.memory_space<semaphore_mem>>) src(%dma_wait3A_70 : memref<10000x128xf32, #tpu.memory_space<hbm>>) dst(%dma_wait3A_66 : memref<32x128xf32, #tpu.memory_space<vmem>>)
    "tpu.region"() ({
      %run_scoped3A = tpu.sem_alloc : memref<!tpu.dma_semaphore, #tpu.memory_space<semaphore_mem>>
      %dma_start3A_82 = arith.constant 0 : i32
      %dma_start3A_83 = arith.constant 0 : i32
      %dma_start3A_84 = tpu.memref_slice %arg13[%dma_start3A_82, %dma_start3A_83] : memref<112x128xf32, #tpu.memory_space<vmem>> -> memref<32x128xf32, #tpu.memory_space<vmem>>
      %dma_start3A_85 = tpu.memref_slice %arg11[%multiple_of3A_45] : memref<10000xi32, #tpu.memory_space<vmem>> -> memref<32xi32, #tpu.memory_space<vmem>>
      %dma_start3A_86 = arith.constant 0 : i32
      %dma_start3A_87 = arith.constant 0 : i32
      %dma_start3A_88 = tpu.memref_slice %arg15[%dma_start3A_86, %dma_start3A_87] : memref<10000x128xf32, #tpu.memory_space<vmem_shared>> -> memref<10000x128xf32, #tpu.memory_space<vmem_shared>>
      tpu.enqueue_indirect_dma source(%dma_start3A_84 : memref<32x128xf32, #tpu.memory_space<vmem>>) target(%dma_start3A_88 : memref<10000x128xf32, #tpu.memory_space<vmem_shared>>) offsets(%dma_start3A_85 : memref<32xi32, #tpu.memory_space<vmem>>) semaphore(%run_scoped3A : memref<!tpu.dma_semaphore, #tpu.memory_space<semaphore_mem>>) {add = true}
      %dma_wait3A_89 = arith.constant 0 : i32
      %dma_wait3A_90 = arith.constant 0 : i32
      %dma_wait3A_91 = tpu.memref_slice %arg13[%dma_wait3A_89, %dma_wait3A_90] : memref<112x128xf32, #tpu.memory_space<vmem>> -> memref<32x128xf32, #tpu.memory_space<vmem>>
      %dma_wait3A_92 = tpu.memref_slice %arg11[%multiple_of3A_45] : memref<10000xi32, #tpu.memory_space<vmem>> -> memref<32xi32, #tpu.memory_space<vmem>>
      %dma_wait3A_93 = arith.constant 0 : i32
      %dma_wait3A_94 = arith.constant 0 : i32
      %dma_wait3A_95 = tpu.memref_slice %arg15[%dma_wait3A_93, %dma_wait3A_94] : memref<10000x128xf32, #tpu.memory_space<vmem_shared>> -> memref<10000x128xf32, #tpu.memory_space<vmem_shared>>
      tpu.wait_indirect_dma semaphore(%run_scoped3A : memref<!tpu.dma_semaphore, #tpu.memory_space<semaphore_mem>>) src(%dma_wait3A_91 : memref<32x128xf32, #tpu.memory_space<vmem>>) dst(%dma_wait3A_95 : memref<10000x128xf32, #tpu.memory_space<vmem_shared>>)
      tpu.yield
    }) : () -> ()
    "tpu.region"() ({
      %run_scoped3A = tpu.sem_alloc : memref<!tpu.dma_semaphore, #tpu.memory_space<semaphore_mem>>
      %dma_start3A_82 = arith.constant 0 : i32
      %dma_start3A_83 = tpu.memref_slice %arg14[%dma_start3A_82] : memref<112xf32, #tpu.memory_space<vmem>> -> memref<32xf32, #tpu.memory_space<vmem>>
      %dma_start3A_84 = tpu.memref_slice %arg11[%multiple_of3A_45] : memref<10000xi32, #tpu.memory_space<vmem>> -> memref<32xi32, #tpu.memory_space<vmem>>
      %dma_start3A_85 = arith.constant 0 : i32
      %dma_start3A_86 = tpu.memref_slice %arg16[%dma_start3A_85] : memref<10000xf32, #tpu.memory_space<vmem_shared>> -> memref<10000xf32, #tpu.memory_space<vmem_shared>>
      tpu.enqueue_indirect_dma source(%dma_start3A_83 : memref<32xf32, #tpu.memory_space<vmem>>) target(%dma_start3A_86 : memref<10000xf32, #tpu.memory_space<vmem_shared>>) offsets(%dma_start3A_84 : memref<32xi32, #tpu.memory_space<vmem>>) semaphore(%run_scoped3A : memref<!tpu.dma_semaphore, #tpu.memory_space<semaphore_mem>>) {add = true}
      %dma_wait3A_87 = arith.constant 0 : i32
      %dma_wait3A_88 = tpu.memref_slice %arg14[%dma_wait3A_87] : memref<112xf32, #tpu.memory_space<vmem>> -> memref<32xf32, #tpu.memory_space<vmem>>
      %dma_wait3A_89 = tpu.memref_slice %arg11[%multiple_of3A_45] : memref<10000xi32, #tpu.memory_space<vmem>> -> memref<32xi32, #tpu.memory_space<vmem>>
      %dma_wait3A_90 = arith.constant 0 : i32
      %dma_wait3A_91 = tpu.memref_slice %arg16[%dma_wait3A_90] : memref<10000xf32, #tpu.memory_space<vmem_shared>> -> memref<10000xf32, #tpu.memory_space<vmem_shared>>
      tpu.wait_indirect_dma semaphore(%run_scoped3A : memref<!tpu.dma_semaphore, #tpu.memory_space<semaphore_mem>>) src(%dma_wait3A_88 : memref<32xf32, #tpu.memory_space<vmem>>) dst(%dma_wait3A_91 : memref<10000xf32, #tpu.memory_space<vmem_shared>>)
      tpu.yield
    }) : () -> ()
    %barrier3A_71 = arith.constant 0 : index
    tpu.barrier barrier_id(%barrier3A_71)
    "tpu.region"() ({
      %run_scoped3A = tpu.sem_alloc : memref<!tpu.dma_semaphore, #tpu.memory_space<semaphore_mem>>
      %dma_start3A_82 = arith.constant 0 : i32
      %dma_start3A_83 = tpu.memref_slice %arg8[%arg0, %mul3A_2, %dma_start3A_82] : memref<2x10000x128xf32, #tpu.memory_space<hbm>> -> memref<1x624x128xf32, #tpu.memory_space<hbm>>
      %dma_start3A_84 = tpu.memref_squeeze %dma_start3A_83 : memref<1x624x128xf32, #tpu.memory_space<hbm>> -> memref<624x128xf32, #tpu.memory_space<hbm>>
      %dma_start3A_85 = arith.constant 0 : i32
      %dma_start3A_86 = tpu.memref_slice %arg15[%mul3A_2, %dma_start3A_85] : memref<10000x128xf32, #tpu.memory_space<vmem_shared>> -> memref<624x128xf32, #tpu.memory_space<vmem_shared>>
      tpu.enqueue_dma source(%dma_start3A_86 : memref<624x128xf32, #tpu.memory_space<vmem_shared>>) target(%dma_start3A_84 : memref<624x128xf32, #tpu.memory_space<hbm>>) target_semaphore(%run_scoped3A : memref<!tpu.dma_semaphore, #tpu.memory_space<semaphore_mem>>)
      %dma_wait3A_87 = arith.constant 0 : i32
      %dma_wait3A_88 = tpu.memref_slice %arg8[%arg0, %mul3A_2, %dma_wait3A_87] : memref<2x10000x128xf32, #tpu.memory_space<hbm>> -> memref<1x624x128xf32, #tpu.memory_space<hbm>>
      %dma_wait3A_89 = tpu.memref_squeeze %dma_wait3A_88 : memref<1x624x128xf32, #tpu.memory_space<hbm>> -> memref<624x128xf32, #tpu.memory_space<hbm>>
      %dma_wait3A_90 = arith.constant 0 : i32
      %dma_wait3A_91 = tpu.memref_slice %arg15[%mul3A_2, %dma_wait3A_90] : memref<10000x128xf32, #tpu.memory_space<vmem_shared>> -> memref<624x128xf32, #tpu.memory_space<vmem_shared>>
      tpu.wait_dma2 semaphore(%run_scoped3A : memref<!tpu.dma_semaphore, #tpu.memory_space<semaphore_mem>>) src(%dma_wait3A_91 : memref<624x128xf32, #tpu.memory_space<vmem_shared>>) dst(%dma_wait3A_89 : memref<624x128xf32, #tpu.memory_space<hbm>>)
      tpu.yield
    }) : () -> ()
    %eq3A_72 = arith.constant 0 : i32
    %eq3A_73 = arith.cmpi eq, %arg1, %eq3A_72 : i32
    %convert_element_type3A_74 = arith.extui %eq3A_73 : i1 to i32
    %cond3A_75 = arith.constant 0 : i32
    %cond3A_76 = arith.cmpi ne, %convert_element_type3A_74, %cond3A_75 : i32
    scf.if %cond3A_76 {
      %mul3A_82 = arith.constant 8 : i32
      %mul3A_83 = arith.muli %mul3A_82, %arg0 : i32
      %multiple_of3A_84 = tpu.assume_multiple %mul3A_83, 8 : i32
      "tpu.region"() ({
        %run_scoped3A = tpu.sem_alloc : memref<!tpu.dma_semaphore, #tpu.memory_space<semaphore_mem>>
        %dma_start3A_85 = arith.constant 0 : i32
        %dma_start3A_86 = tpu.memref_slice %arg9[%multiple_of3A_84, %dma_start3A_85] : memref<16x10000xf32, #tpu.memory_space<hbm>> -> memref<1x10000xf32, #tpu.memory_space<hbm>>
        %dma_start3A_87 = tpu.memref_squeeze %dma_start3A_86 : memref<1x10000xf32, #tpu.memory_space<hbm>> -> memref<10000xf32, #tpu.memory_space<hbm>>
        tpu.enqueue_dma source(%arg16 : memref<10000xf32, #tpu.memory_space<vmem_shared>>) target(%dma_start3A_87 : memref<10000xf32, #tpu.memory_space<hbm>>) target_semaphore(%run_scoped3A : memref<!tpu.dma_semaphore, #tpu.memory_space<semaphore_mem>>)
        %dma_wait3A_88 = arith.constant 0 : i32
        %dma_wait3A_89 = tpu.memref_slice %arg9[%multiple_of3A_84, %dma_wait3A_88] : memref<16x10000xf32, #tpu.memory_space<hbm>> -> memref<1x10000xf32, #tpu.memory_space<hbm>>
        %dma_wait3A_90 = tpu.memref_squeeze %dma_wait3A_89 : memref<1x10000xf32, #tpu.memory_space<hbm>> -> memref<10000xf32, #tpu.memory_space<hbm>>
        tpu.wait_dma2 semaphore(%run_scoped3A : memref<!tpu.dma_semaphore, #tpu.memory_space<semaphore_mem>>) src(%arg16 : memref<10000xf32, #tpu.memory_space<vmem_shared>>) dst(%dma_wait3A_90 : memref<10000xf32, #tpu.memory_space<hbm>>)
        tpu.yield
      }) : () -> ()
    } else {
    }
    %eq3A_77 = arith.constant 15 : i32
    %eq3A_78 = arith.cmpi eq, %arg1, %eq3A_77 : i32
    %convert_element_type3A_79 = arith.extui %eq3A_78 : i1 to i32
    %cond3A_80 = arith.constant 0 : i32
    %cond3A_81 = arith.cmpi ne, %convert_element_type3A_79, %cond3A_80 : i32
    scf.if %cond3A_81 {
      "tpu.region"() ({
        %run_scoped3A = tpu.sem_alloc : memref<!tpu.dma_semaphore, #tpu.memory_space<semaphore_mem>>
        %dma_start3A_82 = arith.constant 9984 : i32
        %dma_start3A_83 = arith.constant 0 : i32
        %dma_start3A_84 = tpu.memref_slice %arg8[%arg0, %dma_start3A_82, %dma_start3A_83] : memref<2x10000x128xf32, #tpu.memory_space<hbm>> -> memref<1x16x128xf32, #tpu.memory_space<hbm>>
        %dma_start3A_85 = tpu.memref_squeeze %dma_start3A_84 : memref<1x16x128xf32, #tpu.memory_space<hbm>> -> memref<16x128xf32, #tpu.memory_space<hbm>>
        %dma_start3A_86 = arith.constant 9984 : i32
        %dma_start3A_87 = arith.constant 0 : i32
        %dma_start3A_88 = tpu.memref_slice %arg15[%dma_start3A_86, %dma_start3A_87] : memref<10000x128xf32, #tpu.memory_space<vmem_shared>> -> memref<16x128xf32, #tpu.memory_space<vmem_shared>>
        tpu.enqueue_dma source(%dma_start3A_88 : memref<16x128xf32, #tpu.memory_space<vmem_shared>>) target(%dma_start3A_85 : memref<16x128xf32, #tpu.memory_space<hbm>>) target_semaphore(%run_scoped3A : memref<!tpu.dma_semaphore, #tpu.memory_space<semaphore_mem>>)
        %dma_wait3A_89 = arith.constant 9984 : i32
        %dma_wait3A_90 = arith.constant 0 : i32
        %dma_wait3A_91 = tpu.memref_slice %arg8[%arg0, %dma_wait3A_89, %dma_wait3A_90] : memref<2x10000x128xf32, #tpu.memory_space<hbm>> -> memref<1x16x128xf32, #tpu.memory_space<hbm>>
        %dma_wait3A_92 = tpu.memref_squeeze %dma_wait3A_91 : memref<1x16x128xf32, #tpu.memory_space<hbm>> -> memref<16x128xf32, #tpu.memory_space<hbm>>
        %dma_wait3A_93 = arith.constant 9984 : i32
        %dma_wait3A_94 = arith.constant 0 : i32
        %dma_wait3A_95 = tpu.memref_slice %arg15[%dma_wait3A_93, %dma_wait3A_94] : memref<10000x128xf32, #tpu.memory_space<vmem_shared>> -> memref<16x128xf32, #tpu.memory_space<vmem_shared>>
        tpu.wait_dma2 semaphore(%run_scoped3A : memref<!tpu.dma_semaphore, #tpu.memory_space<semaphore_mem>>) src(%dma_wait3A_95 : memref<16x128xf32, #tpu.memory_space<vmem_shared>>) dst(%dma_wait3A_92 : memref<16x128xf32, #tpu.memory_space<hbm>>)
        tpu.yield
      }) : () -> ()
    } else {
    }
    return
  }
}

module attributes {stable_mosaic.version = 14 : i64} {
  func.func @_tc_body(%arg0: memref<2x10000x128xf32, #tpu.memory_space<vmem>>, %arg1: memref<16x10000xf32, #tpu.memory_space<vmem>>, %arg2: memref<128x128xf32, #tpu.memory_space<vmem>>, %arg3: memref<1x128xf32, #tpu.memory_space<vmem>>, %arg4: memref<10000x128xf32, #tpu.memory_space<vmem>>) attributes {dimension_semantics = [], scalar_prefetch = 0 : i64, scratch_operands = 0 : i64, tpu.core_type = #tpu.core_type<tc>} {
    %get3A = arith.constant 0 : index
    %get3A_0 = arith.constant 0 : index
    %get3A_1 = arith.constant 0 : index
    %get3A_2 = vector.load %arg0[%get3A, %get3A_0, %get3A_1] : memref<2x10000x128xf32, #tpu.memory_space<vmem>>, vector<1x10000x128xf32>
    %get3A_3 = vector.shape_cast %get3A_2 : vector<1x10000x128xf32> to vector<10000x128xf32>
    %get3A_4 = arith.constant 1 : index
    %get3A_5 = arith.constant 0 : index
    %get3A_6 = arith.constant 0 : index
    %get3A_7 = vector.load %arg0[%get3A_4, %get3A_5, %get3A_6] : memref<2x10000x128xf32, #tpu.memory_space<vmem>>, vector<1x10000x128xf32>
    %get3A_8 = vector.shape_cast %get3A_7 : vector<1x10000x128xf32> to vector<10000x128xf32>
    %add3A = arith.addf %get3A_3, %get3A_8 : vector<10000x128xf32>
    %get3A_9 = arith.constant 0 : index
    %get3A_10 = arith.constant 0 : index
    %get3A_11 = vector.load %arg1[%get3A_9, %get3A_10] : memref<16x10000xf32, #tpu.memory_space<vmem>>, vector<1x10000xf32>
    %get3A_12 = vector.shape_cast %get3A_11 : vector<1x10000xf32> to vector<10000xf32>
    %get3A_13 = arith.constant 8 : index
    %get3A_14 = arith.constant 0 : index
    %get3A_15 = vector.load %arg1[%get3A_13, %get3A_14] : memref<16x10000xf32, #tpu.memory_space<vmem>>, vector<1x10000xf32>
    %get3A_16 = vector.shape_cast %get3A_15 : vector<1x10000xf32> to vector<10000xf32>
    %add3A_17 = arith.addf %get3A_12, %get3A_16 : vector<10000xf32>
    %max3A = arith.constant 1.000000e+00 : f32
    %max3A_18 = vector.broadcast %max3A : f32 to vector<10000xf32>
    %max3A_19 = arith.maximumf %add3A_17, %max3A_18 : vector<10000xf32>
    %reshape3A = vector.shape_cast %max3A_19 : vector<10000xf32> to vector<10000x1xf32>
    %div3A = vector.broadcast %reshape3A : vector<10000x1xf32> to vector<10000x128xf32>
    %div3A_20 = arith.divf %add3A, %div3A : vector<10000x128xf32>
    %get3A_21 = arith.constant 0 : index
    %get3A_22 = arith.constant 0 : index
    %get3A_23 = vector.load %arg2[%get3A_21, %get3A_22] : memref<128x128xf32, #tpu.memory_space<vmem>>, vector<128x128xf32>
    %dot_general3A = arith.constant dense<0.000000e+00> : vector<10000x128xf32>
    %dot_general3A_24 = tpu.matmul %div3A_20, %get3A_23, %dot_general3A {dimension_numbers = #tpu.dot_dimension_numbers<[1], [0], [0], [1], [0, 0, 1, 1], [], []>, transpose_lhs_hint = false} : vector<10000x128xf32>, vector<128x128xf32>, vector<10000x128xf32> -> vector<10000x128xf32>
    %get3A_25 = arith.constant 0 : index
    %get3A_26 = arith.constant 0 : index
    %get3A_27 = vector.load %arg3[%get3A_25, %get3A_26] : memref<1x128xf32, #tpu.memory_space<vmem>>, vector<1x128xf32>
    %add3A_28 = vector.broadcast %get3A_27 : vector<1x128xf32> to vector<10000x128xf32>
    %add3A_29 = arith.addf %dot_general3A_24, %add3A_28 : vector<10000x128xf32>
    %swap3A = arith.constant 0 : index
    %swap3A_30 = arith.constant 0 : index
    %swap3A_31 = vector.load %arg4[%swap3A, %swap3A_30] : memref<10000x128xf32, #tpu.memory_space<vmem>>, vector<10000x128xf32>
    tpu.vector_store %arg4[%swap3A, %swap3A_30], %add3A_29 {strides = array<i32>} : memref<10000x128xf32, #tpu.memory_space<vmem>>, vector<10000x128xf32>,
    return
  }
}

</mosaic_0001>

<sc_bundles>
// kernel: kernel.4.cloned.1.call-start
scs
__scs_entry_jumppad:
0x0: {  	(pc) =	sbr.rel $0x88, $3  }
0x1: {  	(tag) =	ssettag $0x0;
	lr =	simm.s32 $0x1  }
0x2: {  	[smem:$0x3F9D] =	sst lr;
	_ =	strace $0xD0000000  }
0x3: {  	_ = 	snop  }
0x4: {  	_ = 	snop  }
0x5: {  	_ = 	snop  }
0x6: {  	_ = 	snop  }
0x7: {  	_ = 	snop  }
__scs_overlays_trampoline_lowered:
0x8: {  	[smem:$0x3FAC] =	sst s0  }
0x9: {  	[smem:$0x3FAD] =	sst s1  }
0xa: {  	[smem:$0x3FAE] =	sst s2  }
0xb: {  	[smem:$0x3FAF] =	sst s3  }
0xc: {  	[smem:$0x3FB0] =	sst s4  }
0xd: {  	[smem:$0x3FB1] =	sst s5  }
0xe: {  	[smem:$0x3FB2] =	sst s6  }
0xf: {  	[smem:$0x3FB3] =	sst s7  }
0x10: {  	[smem:$0x3FB4] =	sst s8  }
0x11: {  	[smem:$0x3FB5] =	sst s9;
	s0 =	simm.s32 @!p0 $0x0  }
0x12: {  	s1 =	sld [smem:$0x3F9B];
	s0 =	simm.s32 @p0 $0x1  }
0x13: {  	[smem:$0x3FB6] =	sst s0;
	s0 =	simm.s32 @!p1 $0x0  }
0x14: {  	s2 =	sld [smem:$0x3F9A];
	s0 =	simm.s32 @p1 $0x1  }
0x15: {  	[smem:$0x3FB7] =	sst s0;
	s0 =	simm.s32 @!p2 $0x0  }
0x16: {  	s3 =	sld [smem:$0x3FDB];
	s0 =	simm.s32 @p2 $0x1  }
0x17: {  	s4 =	simm.s32 $0x1BF5;
	[smem:$0x3FB9] =	sst s0  }
0x18: {  	s0 =	sld [smem:$0x3F9C];
	_ =	swait.ge [sflag:s4], $0x0  }
0x19: {  	s7 =	sld [smem:$0x3F9D]  }
0x1a: {  	s8 =	sadd.s32 $0xFFFFE003, lr  }
0x1b: {  	s9 =	sadd.s32 $0xFFFFFEF7, lr;
	s5 =	simm.s32 $0xFFFFFFFF;
	p2 =	slt.u32 s8, $0xFFFFF086  }
0x1c: {  	p1 =	slt.u32 s9, $0xF7A;
	s5 =	simm.s32 @!p2 $0x0  }
0x1d: {  	s5 =	simm.s32 @p1 $0x1;
	p0 =	seq.s32 s7, s2  }
0x1e: {  	s7 =	smul.u32 @!p0 $0xF7A, s2;
	p2 =	seq.s32 @!p0 s5, $0x0  }
0x1f: {  	s9 =	smul.u32 $0xF7A, s1;
	s8 =	simm.s32 @!p0 $0x1BF5;
	p2 =	por !p2, p0  }
0x20: {  	[sflag:s8] =	ssyncset.s32 @!p0 $0xFFFFF086;
	s6 =	sadd.s32 @!p0 s3, s7;
	s7 =	simm.s32 @!p0 $0x108  }
0x21: {  	s3 =	sadd.s32 s3, s9;
	s6 =	sadd.s32 @!p0 $0x88, s6;
	s7 =	simm.s32 @p2 $0x1082  }
0x22: {  	[simem:s7], [sflag:s8] =	dma.local @!p0 [hbm:s6], $0xF7A  }
0x23: {  	s9 =	sor.u32 $0xD0000000, s2;
	s6 =	simm.s32 $0x108;
	_ =	swait.ge @!p0 [sflag:s8], $0x0  }
0x24: {  	s3 =	sadd.s32 $0x88, s3;
	s6 =	simm.s32 @!p1 $0x1082;
	[sflag:s4] =	ssyncset.s32 $0xFFFFF086  }
0x25: {  	[simem:s6], [sflag:s4] =	dma.local [hbm:s3], $0xF7A  }
0x26: {  	[smem:$0x3F9D] =	sst s1;
	(tag) =	ssettag s2;
	_ =	strace s9  }
0x27: {  	s1 =	sld [smem:$0x3FAD]  }
0x28: {  	s2 =	sld [smem:$0x3FAE]  }
0x29: {  	s4 =	sld [smem:$0x3FB0]  }
0x2a: {  	p0 =	seq.s32 s5, $0x0;
	s5 =	sld [smem:$0x3FB1]  }
0x2b: {  	s6 =	sld [smem:$0x3FB2]  }
0x2c: {  	s7 =	sld [smem:$0x3FB3]  }
0x2d: {  	s3 =	simm.s32 $0x108;
	s8 =	sld [smem:$0x3FB4]  }
0x2e: {  	s3 =	simm.s32 @!p0 $0x1082;
	s9 =	sld [smem:$0x3FB5]  }
0x2f: {  	lr =	sadd.s32 s0, s3;
	s0 =	sld [smem:$0x3FAC]  }
0x30: {  	s3 =	sld [smem:$0x3FAF]  }
0x31: {  	[smem:$0x3FB8] =	sst s10  }
0x32: {  	s10 =	sld [smem:$0x3FB6];
	_ =	sdelay $0x3  }
0x33: {  	p0 =	seq.s32 s10, $0x1;
	s10 =	sld [smem:$0x3FB8];
	_ =	sdelay $0x3  }
0x34: {  	[smem:$0x3FB8] =	sst s10  }
0x35: {  	s10 =	sld [smem:$0x3FB7];
	_ =	sdelay $0x3  }
0x36: {  	p1 =	seq.s32 s10, $0x1;
	s10 =	sld [smem:$0x3FB8];
	_ =	sdelay $0x3  }
0x37: {  	[smem:$0x3FB8] =	sst s10  }
0x38: {  	s10 =	sld [smem:$0x3FB9]  }
0x39: {  	_ = 	snop;
	(pc) =	sbr.ind lr, $3  }
0x3a: {  	_ = 	snop  }
0x3b: {  	_ = 	snop  }
0x3c: {  	p2 =	seq.s32 s10, $0x1;
	s10 =	sld [smem:$0x3FB8]  }
0x3d: {  	_ =	shalt  }
0x3e: {  	_ =	shalt  }
0x3f: {  	_ =	shalt  }
0x40: {  	_ =	shalt  }
0x41: {  	_ =	shalt  }
0x42: {  	_ =	shalt  }
0x43: {  	_ =	shalt  }
0x44: {  	_ =	shalt  }
0x45: {  	_ =	shalt  }
0x46: {  	_ =	shalt  }
0x47: {  	_ =	shalt  }
0x48: {  	_ =	shalt  }
0x49: {  	_ =	shalt  }
0x4a: {  	_ =	shalt  }
0x4b: {  	_ =	shalt  }
0x4c: {  	_ =	shalt  }
0x4d: {  	_ =	shalt  }
0x4e: {  	_ =	shalt  }
0x4f: {  	_ =	shalt  }
0x50: {  	_ =	shalt  }
0x51: {  	_ =	shalt  }
0x52: {  	_ =	shalt  }
0x53: {  	_ =	shalt  }
0x54: {  	_ =	shalt  }
0x55: {  	_ =	shalt  }
0x56: {  	_ =	shalt  }
0x57: {  	_ =	shalt  }
0x58: {  	_ =	shalt  }
0x59: {  	_ =	shalt  }
0x5a: {  	_ =	shalt  }
0x5b: {  	_ =	shalt  }
0x5c: {  	_ =	shalt  }
0x5d: {  	_ =	shalt  }
0x5e: {  	_ =	shalt  }
0x5f: {  	_ =	shalt  }
0x60: {  	_ =	shalt  }
0x61: {  	_ =	shalt  }
0x62: {  	_ =	shalt  }
0x63: {  	_ =	shalt  }
0x64: {  	_ =	shalt  }
0x65: {  	_ =	shalt  }
0x66: {  	_ =	shalt  }
0x67: {  	_ =	shalt  }
0x68: {  	_ =	shalt  }
0x69: {  	_ =	shalt  }
0x6a: {  	_ =	shalt  }
0x6b: {  	_ =	shalt  }
0x6c: {  	_ =	shalt  }
0x6d: {  	_ =	shalt  }
0x6e: {  	_ =	shalt  }
0x6f: {  	_ =	shalt  }
0x70: {  	_ =	shalt  }
0x71: {  	_ =	shalt  }
0x72: {  	_ =	shalt  }
0x73: {  	_ =	shalt  }
0x74: {  	_ =	shalt  }
0x75: {  	_ =	shalt  }
0x76: {  	_ =	shalt  }
0x77: {  	_ =	shalt  }
0x78: {  	_ =	shalt  }
0x79: {  	_ =	shalt  }
0x7a: {  	_ =	shalt  }
0x7b: {  	_ =	shalt  }
0x7c: {  	_ =	shalt  }
0x7d: {  	_ =	shalt  }
0x7e: {  	_ =	shalt  }
0x7f: {  	_ =	shalt  }
0x80: {  	_ =	shalt  }
0x81: {  	_ =	shalt  }
0x82: {  	_ =	shalt  }
0x83: {  	_ =	shalt  }
0x84: {  	_ =	shalt  }
0x85: {  	_ =	shalt  }
0x86: {  	_ =	shalt  }
0x87: {  	_ =	shalt  }
.Lfunc_end0:
.L_simem_size_0:
called_computation_lowered:
.L_overlay_start_0:
0x88: {  	s2 =	sld [smem:$0x3FD9]  }
0x89: {  	s3 =	sld [smem:$0x3FFE];
	_ =	sdelay $0x1  }
0x8a: {  	s1 =	srdreg.scid  }
0x8b: {  	s0 =	sand.u32 $0x1, s1  }
0x8c: {  	s17 =	sshll.u32 s0, $0xA;
	s2 =	sadd.s32 s3, s2  }
0x8d: {  	s2 =	sadd.s32 s2, s17  }
0x8e: {  	[smem:$0x3FC4] =	sst s2  }
0x8f: {  	_ = 	snop  }
0x90: {  	s2 =	sld [smem:$0x3FC9]  }
0x91: {  	s18 =	sld [smem:$0x3FD0];
	(tm) =	ssettm $0x1  }
0x92: {  	s4 =	sld [smem:$0x3FFB];
	_ =	sdelay $0x3  }
0x93: {  	_ =	strace s4  }
0x94: {  	s4 =	sld [smem:$0x3FFC];
	_ =	sdelay $0x3  }
0x95: {  	_ =	strace s4  }
0x96: {  	s4 =	sld [smem:$0x3FFD];
	_ =	sdelay $0x3  }
0x97: {  	_ =	strace s4  }
0x98: {  	_ =	strace $0x8FFFFFFF  }
0x99: {  	s19 =	sld [smem:$0x3FDB];
	_ =	sdelay $0x1  }
0x9a: {  	s5 =	simm.s32 $_scs_section_size  }
0x9b: {  	s6 =	simm.s32 $_size__tile_overlayer_lowered;
	s7 =	simm.s32 $_tile_overlayer_lowered  }
0x9c: {  	s22 =	simm.s32 $0x1BFF;
	s21 =	sshll.u32 s7, $0x1;
	s4 =	sadd.s32 s5, s19  }
0x9d: {  	s8 =	simm.s32 $0x0;
	s20 =	sshll.u32 s6, $0x1;
	s6 =	sadd.s32 s21, s4  }
0x9e: {  	[timem:s8], [sflag:s22] =	dma.local [hbm:s6], s20  }
0x9f: {  	_ =	swait.ge [sflag:s22], s20  }
0xa0: {  	s5 =	ssub.s32 $0x0, s20;
	[sflag:s22] =	ssyncset.done $0x0  }
0xa1: {  	[sflag:s22] =	ssyncadd.s32 s5;
	_ =	sdelay $0x1  }
0xa2: {  	s23 =	simm.s32 $0x1B8B  }
0xa3: {  	_ =	swait.ge [sflag:s23], $0x1  }
0xa4: {  	[sflag:s23] =	ssyncset.done $0x0  }
0xa5: {  	s25 =	simm.s32 $0x1B8E;
	s24 =	sld [smem:$0x3FFE];
	[sflag:s23] =	ssyncadd.s32 $0xFFFFFFFF  }
0xa6: {  	s26 =	simm.s32 $execute0_lowered;
	[smem:$0x3FD2] =	sst s25  }
0xa7: {  	s6 =	sshll.u32 s26, $0x1;
	_ =	strace $0x80000046;
	[dreg:$0x1] =	wrdreg $0xFFFFFFFF  }
0xa8: {  	s28 =	simm.s32 $_size_execute0_lowered;
	s4 =	sadd.s32 s4, s6;
	[dreg:$0x0] =	wrdreg $0x0  }
0xa9: {  	s6 =	sshll.u32 s28, $0x1;
	[dreg:$0x2] =	wrdreg s4  }
0xaa: {  	[dreg:$0x3] =	wrdreg s6  }
0xab: {  	[dreg:$0x4] =	wrdreg $0xC0  }
0xac: {  	_ =	task [dreg:s8], $0x5FFFF  }
0xad: {  	[dreg:$0x1] =	wrdreg $0xFFFFFFFF  }
0xae: {  	[dreg:$0x0] =	wrdreg $0x60  }
0xaf: {  	[dreg:$0x2] =	wrdreg s2  }
0xb0: {  	[dreg:$0x3] =	wrdreg s24  }
0xb1: {  	[dreg:$0x4] =	wrdreg s18  }
0xb2: {  	[dreg:$0x5] =	wrdreg $0xBF800  }
0xb3: {  	[dreg:$0x6] =	wrdreg $0x1F8000  }
0xb4: {  	[dreg:$0x7] =	wrdreg $0x9  }
0xb5: {  	_ =	task.clear_ibuf [dreg:s8], $0x8FFFF;
	_ =	strace $0x90000046  }
0xb6: {  	s29 =	simm.s32 $0x9;
	_ =	strace $0x80000048  }
0xb7: {  	_ =	swait.ge [sflag:s29], $0x1  }
0xb8: {  	[sflag:s29] =	ssyncadd.s32 $0xFFFFFFFF  }
0xb9: {  	_ =	strace $0x90000048  }
0xba: {  	_ =	sfence  }
0xbb: {  	s30 =	sld [smem:$0x0];
	_ =	sdelay $0x2  }
0xbc: {  	s31 =	sshll.u32 s1, $0xD;
	s1 =	sshrl.u32 s1, $0x2  }
0xbd: {  	s3 =	sand.u32 $0x4000, s31;
	s1 =	sadd.s32 s1, s30  }
0xbe: {  	s0 =	sor.u32 s3, s0;
	s1 =	sshll.u32 s1, $0x11  }
0xbf: {  	s0 =	sor.u32 s1, s0  }
0xc0: {  	s0 =	sadd.s32 $0x8F2B, s0  }
0xc1: {  	[sflag:s0] =	ssyncadd.remote.s32 $0x1  }
0xc2: {  	_ =	sfence.sel $0xFFFF  }
0xc3: {  	[dreg:$0x0] =	wrdreg $0xFFFFFFFF;
	(pc) =	sbr.abs _section_cstart, $3  }
0xc4: {  	[dreg:$0x1] =	wrdreg $0xFFFFFFFF  }
0xc5: {  	_ =	task.clear_ibuf [dreg:s8], $0x2FFFF;
	_ =	strace $0x9FFFFFFF  }
0xc6: {  	(tm) =	ssettm $0x7FFFFFFF  }
0xc7: {  	_ =	shalt  }
tec
execute0_lowered:
.L_overlay_start_1:
0x0: {  	(tag) =	ssettag $0x1  }
0x1: {  	s0 =	rddreg [dreg:$0x0]  }
0x2: {  	s1 =	rddreg [dreg:$0x1]  }
0x3: {  	s2 =	srdreg.scid;
	s6 =	rddreg [dreg:$0x2]  }
0x4: {  	s10 =	stileid.u32;
	s3 =	rddreg [dreg:$0x4]  }
0x5: {  	p1 =	por $0x0, $0x0;
	s28 =	simm.s32 $0x3;
	s29 =	simm.s32 $0x5  }
0x6: {  	s30 =	simm.s32 $0x4;
	s31 =	simm.s32 $0x6;
	s7 =	sand.u32 $0x1, s2  }
0x7: {  	s2 =	rddreg [dreg:$0x3];
	s8 =	sadd.s32 $0xA800, s1;
	s14 =	smul.u32 $0x4E000, s10  }
0x8: {  	s20 =	sadd.s32 $0xA600, s1;
	s13 =	sadd.s32 $0xD600, s1;
	s16 =	smul.u32 $0x13800, s10  }
0x9: {  	s15 =	sshll.u32 s10, $0x6;
	p0 =	seq.s32 s10, $0xF;
	s21 =	smul.u32 $0x2780, s7  }
0xa: {  	s4 =	sshll.u32 s7, $0x4;
	s9 =	ssub.s32 $0x2, s7;
	s7 =	smul.u32 $0x138800, s7  }
0xb: {  	p3 =	sne.s32 @!p0 s10, $0x0;
	s5 =	sor.u32 s10, s4;
	s4 =	simm.s32 $0x0  }
0xc: {  	s22 =	sshrl.u32 s9, $0x1;
	s14 =	sshrl.u32 s14, $0x2;
	p2 =	por p3, p0  }
0xd: {  	p4 =	por !p3, p0;
	p3 =	sne.s32 s10, $0x0;
	s10 =	simm.s32 $0x4E70  }
0xe: {  	s11 =	smul.u32 $0x4E2, s5;
	[smem:$0x7FF] =	sst s4;
	s5 =	sadd.s32 $0xAE00, s1  }
0xf: {  	s17 =	ssub.s32 s9, s22;
	s18 =	sadd.s32 s14, s2;
	s9 =	sadd.s32 $0x138000, s2  }
0x10: {  	s23 =	sadd.s32 s16, s7;
	s7 =	sshrl.u32 s7, $0x3;
	s19 =	sshrl.u32 @!p2 s3, $0x3  }
0x11: {  	s22 =	simm.s32 $0x70;
	_ =	strace $0x80000047;
	[dreg:$0x6] =	wrdreg s8  }
0x12: {  	[dreg:$0x7] =	wrdreg s20;
	s8 =	sor.u32 $0x1C07, s15;
	s24 =	sshrl.u32 s23, $0x3  }
0x13: {  	s25 =	sadd.s32 s13, s7;
	s26 =	smax.u32 s17, $0x1;
	s16 =	sshrl.u32 s18, $0x3  }
0x14: {  	s17 =	simm.s32 $0x7;
	s15 =	smov.u32 s9;
	s20 =	simm.s32 $0xBF00  }
0x15: {  	s23 =	simm.s32 $0x4F00;
	s7 =	simm.s32 $0x20;
	s12 =	sadd.s32 s11, s1  }
0x16: {  	s1 =	sadd.s32 s21, s1;
	s6 =	sadd.s32 s6, s11;
	[dreg:$0xd] =	wrdreg s26  }
0x17: {  	s21 =	simm.s32 $0x2780;
	s12 =	sadd.s32 $0x800, s12;
	[dreg:$0x9] =	wrdreg s6  }
0x18: {  	s26 =	simm.s32 $0x2;
	s6 =	sadd.s32 s13, s24;
	[dreg:$0x8] =	wrdreg s12  }
0x19: {  	s11 =	simm.s32 $0x0;
	s1 =	sadd.s32 $0x5B800, s1;
	[dreg:$0xa] =	wrdreg s6  }
0x1a: {  	s24 =	simm.s32 $0x1;
	[dreg:$0xb] =	wrdreg s1;
	s1 =	sadd.s32 $0x27000, s25  }
0x1b: {  	s25 =	simm.s32 $0x8700;
	[dreg:$0xc] =	wrdreg s1;
	s1 =	sshrl.u32 @p0 s9, $0x3  }
0x1c: {  	s6 =	simm.s32 $0x4E00;
	[dreg:$0xe] =	wrdreg s1;
	s1 =	simm.s32 $0x4D90  }
.LBB2_1:
0x1d: {  	[spmem:s16], [sflag:s8] =	dma.local [hbm:s5], $0x2700  }
0x1e: {  	_ =	swait.ge [sflag:s17], $0x2700  }
0x1f: {  	[sflag:s17] =	ssyncset.done $0x0  }
0x20: {  	s12 =	simm.s32 @p0 $0x7;
	s9 =	rddreg [dreg:$0xe];
	[sflag:s17] =	ssyncadd.s32 $0xFFFFD900  }
0x21: {  	[spmem:s9], [sflag:s8] =	dma.local @p0 [hbm:s5], $0x100  }
0x22: {  	_ =	swait.ge @p0 [sflag:s12], $0x100  }
0x23: {  	[sflag:s12] =	ssyncset.done @p0 $0x0  }
0x24: {  	s9 =	rddreg [dreg:$0x6];
	[sflag:s12] =	ssyncadd.s32 @p0 $0xFFFFFF00;
	s12 =	simm.s32 @!p2 $0x7  }
0x25: {  	[spmem:s19], [sflag:s8] =	dma.local @!p2 [hbm:s9], $0x4F0  }
0x26: {  	_ =	swait.ge @!p2 [sflag:s12], $0x4F0  }
0x27: {  	[sflag:s12] =	ssyncset.done @!p2 $0x0  }
0x28: {  	s14 =	rddreg [dreg:$0x7];
	[sflag:s12] =	ssyncadd.s32 @!p2 $0xFFFFFB10  }
0x29: {  	[tilespmem:s20], [sflag:$0x7] =	stream.linear.gather [hbm4b:s14+s4], $0x80, $0x38;
	[tilespmem:$0x1FA78] =	vst v63  }
0x2a: {  	_ =	swait.ge [sflag:s17], $0x80  }
0x2b: {  	[sflag:s17] =	ssyncset.done $0x0  }
0x2c: {  	s18 =	rddreg [dreg:$0x8];
	[sflag:s17] =	ssyncadd.s32 $0xFFFFFF80  }
0x2d: {  	[tilespmem:s4], [sflag:$0x7] =	stream.linear.gather [hbm4b:s18+s4], $0x2710, $0x38;
	[tilespmem:$0x1FA78] =	vst v63  }
0x2e: {  	_ =	swait.ge [sflag:s17], $0x2710  }
0x2f: {  	[sflag:s17] =	ssyncset.done $0x0  }
0x30: {  	s12 =	rddreg [dreg:$0x9];
	[sflag:s17] =	ssyncadd.s32 $0xFFFFD8F0  }
0x31: {  	[tilespmem:s21], [sflag:$0x7] =	stream.linear.gather [hbm4b:s12+s4], $0x2710, $0x38;
	[tilespmem:$0x1FA78] =	vst v63  }
0x32: {  	_ =	swait.ge [sflag:s17], $0x2710  }
0x33: {  	[sflag:s17] =	ssyncset.done $0x0  }
0x34: {  	[sflag:s17] =	ssyncadd.s32 $0xFFFFD8F0  }
0x35: {  	[bflag:$0x0] =	sbarrier.arrive $0xFFFF  }
0x36: {  	[tilespmem:s23], [sflag:$0x1] =	stream.indirect.gather [hbm4b:s0+s22], $0x80, s4, s22, $0xb8;
	[tilespmem:$0x1FA78] =	vst v63  }
0x37: {  	_ =	swait.ge [sflag:s24], $0x3800  }
0x38: {  	[sflag:s24] =	ssyncset.done $0x0  }
0x39: {  	[sflag:s24] =	ssyncadd.s32 $0xFFFFC800  }
0x3a: {  	[spmem:s2] =	stream.indirect.scatter.add.f32 [tilespmem:s23], [sflag:$0x3], $0x80, s21, s22, $0xb8;
	[tilespmem:$0x1FA78] =	vst v63  }
0x3b: {  	_ = 	snop  }
0x3c: {  	[spmem:s3] =	stream.indirect.scatter.add.f32 [tilespmem:s20], [sflag:$0x5], $0x1, s21, s22, $0xb8;
	[tilespmem:$0x1FA78] =	vst v63  }
0x3d: {  	_ = 	snop  }
0x3e: {  	[tilespmem:s25], [sflag:$0x2] =	stream.indirect.gather [hbm4b:s0+s22], $0x80, s22, s22, $0xb8;
	[tilespmem:$0x1FA78] =	vst v63  }
0x3f: {  	_ =	swait.ge [sflag:s26], $0x3800  }
0x40: {  	[sflag:s26] =	ssyncset.done $0x0  }
0x41: {  	s13 =	simm.s32 $0x27F0;
	[sflag:s26] =	ssyncadd.s32 $0xFFFFC800  }
0x42: {  	[spmem:s2] =	stream.indirect.scatter.add.f32 [tilespmem:s25], [sflag:$0x4], $0x80, s13, s22, $0xb8;
	[tilespmem:$0x1FA78] =	vst v63  }
0x43: {  	_ = 	snop  }
0x44: {  	[spmem:s3] =	stream.indirect.scatter.add.f32 [tilespmem:s20], [sflag:$0x6], $0x1, s13, s22, $0xb8;
	[tilespmem:$0x1FA78] =	vst v63  }
0x45: {  	_ =	swait.ge [sflag:s28], $0x3800  }
0x46: {  	[sflag:s28] =	ssyncset.done $0x0  }
0x47: {  	[sflag:s28] =	ssyncadd.s32 $0xFFFFC800  }
0x48: {  	_ =	swait.ge [sflag:s29], $0x70  }
0x49: {  	[sflag:s29] =	ssyncset.done $0x0  }
0x4a: {  	s14 =	simm.s32 $0xE0;
	[sflag:s29] =	ssyncadd.s32 $0xFFFFFF90  }
0x4b: {  	[tilespmem:s23], [sflag:$0x1] =	stream.indirect.gather [hbm4b:s0+s22], $0x80, s14, s22, $0xb8;
	[tilespmem:$0x1FA78] =	vst v63  }
0x4c: {  	_ =	swait.ge [sflag:s24], $0x3800  }
0x4d: {  	[sflag:s24] =	ssyncset.done $0x0  }
0x4e: {  	s18 =	simm.s32 $0x2860;
	[sflag:s24] =	ssyncadd.s32 $0xFFFFC800  }
0x4f: {  	[spmem:s2] =	stream.indirect.scatter.add.f32 [tilespmem:s23], [sflag:$0x3], $0x80, s18, s22, $0xb8;
	[tilespmem:$0x1FA78] =	vst v63  }
0x50: {  	_ = 	snop  }
0x51: {  	[spmem:s3] =	stream.indirect.scatter.add.f32 [tilespmem:s20], [sflag:$0x5], $0x1, s18, s22, $0xb8;
	[tilespmem:$0x1FA78] =	vst v63  }
0x52: {  	_ =	swait.ge [sflag:s30], $0x3800  }
0x53: {  	[sflag:s30] =	ssyncset.done $0x0  }
0x54: {  	p6 =	por @!p2 $0x0, $0x0;
	[sflag:s30] =	ssyncadd.s32 $0xFFFFC800  }
0x55: {  	p5 =	por @p0 $0x1, $0x1;
	p6 =	por @!p4 p1, p1;
	_ =	swait.ge [sflag:s31], $0x70  }
0x56: {  	p5 =	por @!p0 p6, p6;
	[sflag:s31] =	ssyncset.done $0x0  }
0x57: {  	s12 =	simm.s32 $0xFFFF6D00;
	s13 =	simm.s32 $0x150;
	[sflag:s31] =	ssyncadd.s32 $0xFFFFFF90  }
.LBB2_2:
0x58: {  	[tilespmem:s25], [sflag:$0x2] =	stream.indirect.gather [hbm4b:s0+s22], $0x80, s13, s22, $0xb8;
	[tilespmem:$0x1FA78] =	vst v63  }
0x59: {  	s13 =	smov.u32 s12  }
0x5a: {  	p6 =	sne.s32 s12, $0xFFFFFC80;
	s12 =	sadd.s32 $0x380, s12;
	_ =	swait.ge [sflag:s26], $0x3800  }
0x5b: {  	s13 =	sshra.s32 s13, $0x2;
	[sflag:s26] =	ssyncset.done $0x0  }
0x5c: {  	s9 =	sadd.s32 $0x4D90, s13;
	[sflag:s26] =	ssyncadd.s32 $0xFFFFC800  }
0x5d: {  	[spmem:s2] =	stream.indirect.scatter.add.f32 [tilespmem:s25], [sflag:$0x4], $0x80, s9, s22, $0xb8;
	[tilespmem:$0x1FA78] =	vst v63  }
0x5e: {  	_ = 	snop  }
0x5f: {  	[spmem:s3] =	stream.indirect.scatter.add.f32 [tilespmem:s20], [sflag:$0x6], $0x1, s9, s22, $0xb8;
	[tilespmem:$0x1FA78] =	vst v63  }
0x60: {  	_ =	swait.ge [sflag:s28], $0x3800  }
0x61: {  	[sflag:s28] =	ssyncset.done $0x0  }
0x62: {  	[sflag:s28] =	ssyncadd.s32 $0xFFFFC800  }
0x63: {  	_ =	swait.ge [sflag:s29], $0x70  }
0x64: {  	[sflag:s29] =	ssyncset.done $0x0  }
0x65: {  	s9 =	sadd.s32 $0x2680, s13;
	[sflag:s29] =	ssyncadd.s32 $0xFFFFFF90  }
0x66: {  	[tilespmem:s23], [sflag:$0x1] =	stream.indirect.gather [hbm4b:s0+s22], $0x80, s9, s22, $0xb8;
	[tilespmem:$0x1FA78] =	vst v63  }
0x67: {  	_ =	swait.ge [sflag:s24], $0x3800  }
0x68: {  	[sflag:s24] =	ssyncset.done $0x0  }
0x69: {  	s9 =	sadd.s32 $0x4E00, s13;
	[sflag:s24] =	ssyncadd.s32 $0xFFFFC800  }
0x6a: {  	[spmem:s2] =	stream.indirect.scatter.add.f32 [tilespmem:s23], [sflag:$0x3], $0x80, s9, s22, $0xb8;
	[tilespmem:$0x1FA78] =	vst v63  }
0x6b: {  	_ = 	snop  }
0x6c: {  	[spmem:s3] =	stream.indirect.scatter.add.f32 [tilespmem:s20], [sflag:$0x5], $0x1, s9, s22, $0xb8;
	[tilespmem:$0x1FA78] =	vst v63  }
0x6d: {  	_ =	swait.ge [sflag:s30], $0x3800  }
.Ltmp0:
0x6e: {  	[sflag:s30] =	ssyncset.done $0x0;
	(pc) =	sbr.rel @p6 .LBB2_2-.Ltmp0, $4  }
0x6f: {  	[sflag:s30] =	ssyncadd.s32 $0xFFFFC800  }
0x70: {  	_ =	swait.ge [sflag:s31], $0x70  }
0x71: {  	[sflag:s31] =	ssyncset.done $0x0  }
0x72: {  	s13 =	sadd.s32 $0x26F0, s13;
	[sflag:s31] =	ssyncadd.s32 $0xFFFFFF90  }
0x73: {  	[tilespmem:s25], [sflag:$0x2] =	stream.indirect.gather [hbm4b:s0+s22], $0x80, s13, s22, $0xb8;
	[tilespmem:$0x1FA78] =	vst v63  }
0x74: {  	_ =	swait.ge [sflag:s26], $0x3800  }
0x75: {  	[sflag:s26] =	ssyncset.done $0x0  }
0x76: {  	[sflag:s26] =	ssyncadd.s32 $0xFFFFC800  }
0x77: {  	[spmem:s2] =	stream.indirect.scatter.add.f32 [tilespmem:s25], [sflag:$0x4], $0x80, s1, s22, $0xb8;
	[tilespmem:$0x1FA78] =	vst v63  }
0x78: {  	_ = 	snop  }
0x79: {  	[spmem:s3] =	stream.indirect.scatter.add.f32 [tilespmem:s20], [sflag:$0x6], $0x1, s1, s22, $0xb8;
	[tilespmem:$0x1FA78] =	vst v63  }
0x7a: {  	_ =	swait.ge [sflag:s28], $0x3800  }
0x7b: {  	[sflag:s28] =	ssyncset.done $0x0  }
0x7c: {  	[sflag:s28] =	ssyncadd.s32 $0xFFFFC800  }
0x7d: {  	_ =	swait.ge [sflag:s29], $0x70  }
0x7e: {  	[sflag:s29] =	ssyncset.done $0x0  }
0x7f: {  	s9 =	simm.s32 $0x2680;
	[sflag:s29] =	ssyncadd.s32 $0xFFFFFF90  }
0x80: {  	[tilespmem:s23], [sflag:$0x1] =	stream.indirect.gather [hbm4b:s0+s22], $0x80, s9, s22, $0xb8;
	[tilespmem:$0x1FA78] =	vst v63  }
0x81: {  	_ =	swait.ge [sflag:s24], $0x3800  }
0x82: {  	[sflag:s24] =	ssyncset.done $0x0  }
0x83: {  	[sflag:s24] =	ssyncadd.s32 $0xFFFFC800  }
0x84: {  	[spmem:s2] =	stream.indirect.scatter.add.f32 [tilespmem:s23], [sflag:$0x3], $0x80, s6, s22, $0xb8;
	[tilespmem:$0x1FA78] =	vst v63  }
0x85: {  	_ = 	snop  }
0x86: {  	[spmem:s3] =	stream.indirect.scatter.add.f32 [tilespmem:s20], [sflag:$0x5], $0x1, s6, s22, $0xb8;
	[tilespmem:$0x1FA78] =	vst v63  }
0x87: {  	_ =	swait.ge [sflag:s30], $0x3800  }
0x88: {  	[sflag:s30] =	ssyncset.done $0x0  }
0x89: {  	[sflag:s30] =	ssyncadd.s32 $0xFFFFC800  }
0x8a: {  	_ =	swait.ge [sflag:s31], $0x70  }
0x8b: {  	[sflag:s31] =	ssyncset.done $0x0  }
0x8c: {  	s13 =	simm.s32 $0x26F0;
	[sflag:s31] =	ssyncadd.s32 $0xFFFFFF90  }
0x8d: {  	[tilespmem:s25], [sflag:$0x2] =	stream.indirect.gather [hbm4b:s0+s7], $0x80, s13, s7, $0xb8;
	[tilespmem:$0x1FA78] =	vst v63  }
0x8e: {  	_ =	swait.ge [sflag:s28], $0x3800  }
0x8f: {  	[sflag:s28] =	ssyncset.done $0x0  }
0x90: {  	[sflag:s28] =	ssyncadd.s32 $0xFFFFC800  }
0x91: {  	_ =	swait.ge [sflag:s29], $0x70  }
0x92: {  	[sflag:s29] =	ssyncset.done $0x0  }
0x93: {  	[sflag:s29] =	ssyncadd.s32 $0xFFFFFF90  }
0x94: {  	_ =	swait.ge [sflag:s26], $0x1000  }
0x95: {  	[sflag:s26] =	ssyncset.done $0x0  }
0x96: {  	[sflag:s26] =	ssyncadd.s32 $0xFFFFF000  }
0x97: {  	[spmem:s2] =	stream.indirect.scatter.add.f32 [tilespmem:s25], [sflag:$0x7], $0x80, s10, s7, $0xb8;
	[tilespmem:$0x1FA78] =	vst v63  }
0x98: {  	_ =	swait.ge [sflag:s17], $0x1000  }
0x99: {  	[sflag:s17] =	ssyncset.done $0x0  }
0x9a: {  	[sflag:s17] =	ssyncadd.s32 $0xFFFFF000  }
0x9b: {  	[spmem:s3] =	stream.indirect.scatter.add.f32 [tilespmem:s20], [sflag:$0x7], $0x1, s10, s7, $0xb8;
	[tilespmem:$0x1FA78] =	vst v63  }
0x9c: {  	_ =	swait.ge [sflag:s17], $0x20  }
0x9d: {  	[sflag:s17] =	ssyncset.done $0x0  }
0x9e: {  	[sflag:s17] =	ssyncadd.s32 $0xFFFFFFE0  }
0x9f: {  	[bflag:$0x0] =	sbarrier.arrive $0xFFFF  }
0xa0: {  	s14 =	rddreg [dreg:$0xa]  }
0xa1: {  	[hbm:s14], [sflag:s8] =	dma.local [spmem:s16], $0x2700  }
0xa2: {  	s12 =	simm.s32 @!p3 $0x1;
	_ =	swait.ge [sflag:s17], $0x2700  }
0xa3: {  	s9 =	sshrl.u32 @!p3 s3, $0x3;
	s13 =	simm.s32 @!p3 $0x80;
	[sflag:s17] =	ssyncset.done $0x0  }
0xa4: {  	s14 =	simm.s32 @!p3 $0x10;
	s18 =	rddreg [dreg:$0xb];
	[sflag:s17] =	ssyncadd.s32 $0xFFFFD900  }
0xa5: {  	[hbm:s18@s13], [sflag:s8] =	dma.strided @!p3 [spmem:s9@s14], $0x4F0, s12, $0x10   }
0xa6: {  	s9 =	simm.s32 @!p3 $0x7  }
0xa7: {  	_ =	swait.ge @!p3 [sflag:s9], $0x4F0  }
0xa8: {  	[sflag:s9] =	ssyncset.done @!p3 $0x0  }
0xa9: {  	s12 =	rddreg [dreg:$0xc];
	[sflag:s9] =	ssyncadd.s32 @!p3 $0xFFFFFB10;
	s9 =	sshrl.u32 @p5 s15, $0x3  }
0xaa: {  	[hbm:s12], [sflag:s8] =	dma.local @p5 [spmem:s9], $0x100  }
0xab: {  	s9 =	simm.s32 @p5 $0x7  }
0xac: {  	_ =	swait.ge @p5 [sflag:s9], $0x100  }
0xad: {  	s11 =	sadd.s32 $0x1, s11;
	s18 =	rddreg [dreg:$0xd]  }
0xae: {  	p6 =	sne.s32 s11, s18  }
.Ltmp1:
0xaf: {  	_ = 	snop;
	(pc) =	sbr.rel @p6 .LBB2_1-.Ltmp1, $3  }
0xb0: {  	_ =	sdelay $0x1  }
0xb1: {  	[sflag:s9] =	ssyncset.done @p5 $0x0  }
0xb2: {  	[sflag:s9] =	ssyncadd.s32 @p5 $0xFFFFFF00  }
0xb3: {  	_ =	sfence.sel $0x180000  }
0xb4: {  	[bflag:$0x0] =	sbarrier.arrive $0xFFFF  }
0xb5: {  	_ =	strace $0x90000047  }
0xb6: {  	[bflag:$0x2] =	sbarrier.arrive $0xFFFF  }
0xb7: {  	s0 =	rddreg [dreg:$0x5]  }
0xb8: {  	s0 =	sadd.s32 @!p3 $0x100000, s0  }
0xb9: {  	[sflag:s0] =	ssyncadd.tile.s32 @!p3 $0x1;
	_ =	shalt  }
.Lfunc_end2:
_tile_overlayer_lowered:
.L_overlay_start_2:
0xba: {  	(tag) =	ssettag $0x2  }
0xbb: {  	s0 =	rddreg [dreg:$0x0];
	s2 =	stileid.u32  }
0xbc: {  	s1 =	rddreg [dreg:$0x1];
	p0 =	sne.s32 s2, $0x0  }
0xbd: {  	s3 =	rddreg [dreg:$0x2];
	[bflag:$0x3] =	sbarrier.arrive $0xFFFF;
	s2 =	simm.s32 @!p0 $0x1C07  }
0xbe: {  	[timem:s3], [sflag:s2] =	dma.local @!p0 [hbm:s0], s1  }
0xbf: {  	s0 =	simm.s32 @!p0 $0x7  }
0xc0: {  	_ =	swait.ge @!p0 [sflag:s0], s1  }
0xc1: {  	s1 =	ssub.s32 @!p0 $0x0, s1;
	[sflag:s0] =	ssyncset.done @!p0 $0x0  }
0xc2: {  	[sflag:s0] =	ssyncadd.s32 @!p0 s1  }
0xc3: {  	[bflag:$0x3] =	sbarrier.arrive $0xFFFF  }
0xc4: {  	_ =	shalt  }

</sc_bundles>
